<compile_context>
chip_gen: v7x
topology: tpu7x:2x2x1
jax: 0.10.2.dev20260603
libtpu: 0.0.44.dev20260713+nightly
codegen_flags: <defaults>
</compile_context>

<pallas_src>
import jax
import jax.numpy as jnp
from jax import lax
from jax.experimental import pallas as pl
from jax.experimental.pallas import tpu as pltpu
from jax.experimental.pallas import tpu_sc as plsc

F = 26
B = 16384
VOCAB = 100000
NC, NS = 2, 16
NW = NC * NS
BPW = B // NW
EPW = BPW * F
GCH = 128
GW = 128
NG = EPW // GW
NBUF = 48


def _body(x_hbm, table_hbm, bias_hbm, out_hbm, xv, vals, acc, biasv, sem):
    wid = lax.axis_index("s") * NC + lax.axis_index("c")

    pltpu.sync_copy(x_hbm.at[pl.ds(wid * NG, NG)], xv)
    pltpu.sync_copy(bias_hbm, biasv)

    def fire(g):
        pltpu.async_copy(
            table_hbm.at[xv.at[g]], vals.at[pl.ds(g * GW, GW)], sem
        )

    def drain(g):
        pltpu.make_async_copy(
            table_hbm.at[xv.at[g]], vals.at[pl.ds(g * GW, GW)], sem
        ).wait()

    for g in range(NBUF):
        fire(g)

    def gloop(g, _):
        @pl.when(g + NBUF < NG)
        def _():
            fire(g + NBUF)

        drain(g)
        return 0

    lax.fori_loop(0, NG, gloop, 0)

    bv = biasv[...]

    def red(c, _):
        base = c * 16
        v = bv
        for f in range(F):
            v = v + vals[pl.ds(f * BPW + base, 16)]
        acc[pl.ds(base, 16)] = v
        return 0

    lax.fori_loop(0, BPW // 16, red, 0)

    pltpu.sync_copy(acc, out_hbm.at[pl.ds(wid * BPW, BPW)])


TROWS = 20312
TPADR = 20320
BLKR = TPADR // 4


def _flat_body(main_ref, tail_ref, out_ref):
    g = pl.program_id(0)
    rows = jax.lax.broadcasted_iota(jnp.int32, (BLKR, GCH), 0) + g * BLKR
    m = main_ref[...]
    t = jnp.broadcast_to(tail_ref[...], (BLKR, GCH))
    out_ref[...] = jnp.where(
        rows < TROWS, m, jnp.where(rows == TROWS, t, 0.0)
    )


def kernel(x, table, bias):
    offs = (jnp.arange(F, dtype=jnp.int32) * VOCAB)[None, None, :]
    x_flat = (
        (x.reshape(NW, BPW, F) + offs)
        .transpose(0, 2, 1)
        .reshape(NW * NG, GW)
    )
    b16 = jnp.broadcast_to(bias, (16,))
    TPAD = TPADR * GCH
    main = table[: TROWS * GCH].reshape(TROWS, GCH)
    tailrow = jnp.pad(table[TROWS * GCH:], ((0, 64), (0, 0))).reshape(1, GCH)
    t2d = pl.pallas_call(
        _flat_body,
        grid=(4,),
        in_specs=[
            pl.BlockSpec((BLKR, GCH), lambda g: (g, 0)),
            pl.BlockSpec((1, GCH), lambda g: (0, 0)),
        ],
        out_specs=pl.BlockSpec((BLKR, GCH), lambda g: (g, 0)),
        out_shape=jax.ShapeDtypeStruct((TPADR, GCH), jnp.float32),
    )(main, tailrow)
    t_flat = t2d.reshape(TPAD)
    run = pl.kernel(
        _body,
        mesh=plsc.VectorSubcoreMesh(core_axis_name="c", subcore_axis_name="s"),
        compiler_params=pltpu.CompilerParams(use_tc_tiling_on_sc=False),
        out_type=jax.ShapeDtypeStruct((B,), jnp.float32),
        scratch_types=[
            pltpu.VMEM((NG, GW), jnp.int32),
            pltpu.VMEM((EPW,), jnp.float32),
            pltpu.VMEM((BPW,), jnp.float32),
            pltpu.VMEM((16,), jnp.float32),
            pltpu.SemaphoreType.DMA,
        ],
    )
    return run(x_flat, t_flat, b16).reshape(B, 1)

# --- scband reference (transcript-rebuilt; emitter-appended) ---
"""Pipeline reference for scband-categorical-features-lineal-14886356648239 (READ-ONLY COPY).

The authoritative reference and input builder live on the scoring server;
editing this copy changes nothing except your own understanding.
"""

import jax, jax.numpy as jnp
import numpy as np

FEATURES_N_VALUES = [100000] * 26
N_OUTPUTS = 1
BATCH = 16384


def setup_inputs(seed: int = 0) -> dict:
    key = jax.random.key(seed)
    k1, k2, k3 = jax.random.split(key, 3)
    x = jax.random.randint(k1, (BATCH, len(FEATURES_N_VALUES)), 0, 100000, dtype=jnp.int32)
    total_rows = int(sum(FEATURES_N_VALUES))
    # MultiFeatureEmbedding: one big table covering all feature vocabularies (offset-concatenated)
    table = jax.random.normal(k2, (total_rows, N_OUTPUTS), dtype=jnp.float32) * 0.01
    # bias initialized with normal_ in the torch module
    bias = jax.random.normal(k3, (N_OUTPUTS,), dtype=jnp.float32)
    return {"x": x, "table": table, "bias": bias}


def reference(x, table, bias):
    # per-feature offsets into the concatenated embedding table
    offsets_np = np.concatenate([[0], np.cumsum(FEATURES_N_VALUES[:-1])]).astype(np.int32)
    offsets = jnp.asarray(offsets_np)
    shifted = x + offsets[None, :]                      # [B, F]
    emb = jnp.take(table, shifted, axis=0)              # [B, F, n_outputs]
    out = jnp.sum(emb, axis=1) + bias                   # [B, n_outputs]
    return out

if __name__ == "__main__":
    import jax
    _d = setup_inputs()
    print(jax.jit(kernel)(*tuple(_d.values())))

</pallas_src>

<mosaic_0001>
#map = affine_map<(d0, d1) -> (0, 0)>
#map1 = affine_map<(d0, d1) -> (0)>
module attributes {stable_mosaic.version = 14 : i64} {
  func.func @_body(%arg0: i32, %arg1: i32, %arg2: memref<3328x128xi32, #tpu.memory_space<hbm>>, %arg3: memref<2600960xf32, #tpu.memory_space<hbm>>, %arg4: memref<16xf32, #tpu.memory_space<hbm>>, %arg5: memref<16384xf32, #tpu.memory_space<hbm>>, %arg6: memref<104x128xi32, #tpu.memory_space<vmem>>, %arg7: memref<13312xf32, #tpu.memory_space<vmem>>, %arg8: memref<512xf32, #tpu.memory_space<vmem>>, %arg9: memref<16xf32, #tpu.memory_space<vmem>>, %arg10: memref<!tpu.dma_semaphore, #tpu.memory_space<semaphore_mem>>) attributes {dimension_semantics = [#tpu.dimension_semantics<core_parallel>, #tpu.dimension_semantics<subcore_parallel>], iteration_bounds = array<i64: 2, 16>, scalar_prefetch = 0 : i64, scratch_operands = 5 : i64, tpu.core_type = #tpu.core_type<sc_vector_subcore>, window_params = [{transform_indices = #map}, {transform_indices = #map1}, {transform_indices = #map1}, {transform_indices = #map1}]} {
    %mul3A = arith.constant 2 : i32
    %mul3A_0 = arith.muli %arg1, %mul3A : i32
    %add3A = arith.addi %mul3A_0, %arg0 : i32
    %mul3A_1 = arith.constant 104 : i32
    %mul3A_2 = arith.muli %add3A, %mul3A_1 : i32
    "tpu.region"() ({
      %run_scoped3A = tpu.sem_alloc : memref<!tpu.dma_semaphore, #tpu.memory_space<semaphore_mem>>
      %dma_start3A_403 = arith.constant 0 : i32
      %dma_start3A_404 = tpu.memref_slice %arg2[%mul3A_2, %dma_start3A_403] : memref<3328x128xi32, #tpu.memory_space<hbm>> -> memref<104x128xi32, #tpu.memory_space<hbm>>
      %dma_start3A_405 = arith.constant 0 : i32
      %dma_start3A_406 = tpu.memref_slice %arg2[%mul3A_2, %dma_start3A_405] : memref<3328x128xi32, #tpu.memory_space<hbm>> -> memref<104x128xi32, #tpu.memory_space<hbm>>
      tpu.enqueue_dma source(%dma_start3A_406 : memref<104x128xi32, #tpu.memory_space<hbm>>) target(%arg6 : memref<104x128xi32, #tpu.memory_space<vmem>>) target_semaphore(%run_scoped3A : memref<!tpu.dma_semaphore, #tpu.memory_space<semaphore_mem>>)
      %dma_wait3A = arith.constant 0 : i32
      %dma_wait3A_407 = tpu.memref_slice %arg2[%mul3A_2, %dma_wait3A] : memref<3328x128xi32, #tpu.memory_space<hbm>> -> memref<104x128xi32, #tpu.memory_space<hbm>>
      %dma_wait3A_408 = arith.constant 0 : i32
      %dma_wait3A_409 = tpu.memref_slice %arg2[%mul3A_2, %dma_wait3A_408] : memref<3328x128xi32, #tpu.memory_space<hbm>> -> memref<104x128xi32, #tpu.memory_space<hbm>>
      tpu.wait_dma2 semaphore(%run_scoped3A : memref<!tpu.dma_semaphore, #tpu.memory_space<semaphore_mem>>) src(%dma_wait3A_409 : memref<104x128xi32, #tpu.memory_space<hbm>>) dst(%arg6 : memref<104x128xi32, #tpu.memory_space<vmem>>)
      tpu.yield
    }) : () -> ()
    "tpu.region"() ({
      %run_scoped3A = tpu.sem_alloc : memref<!tpu.dma_semaphore, #tpu.memory_space<semaphore_mem>>
      tpu.enqueue_dma source(%arg4 : memref<16xf32, #tpu.memory_space<hbm>>) target(%arg9 : memref<16xf32, #tpu.memory_space<vmem>>) target_semaphore(%run_scoped3A : memref<!tpu.dma_semaphore, #tpu.memory_space<semaphore_mem>>)
      tpu.wait_dma2 semaphore(%run_scoped3A : memref<!tpu.dma_semaphore, #tpu.memory_space<semaphore_mem>>) src(%arg4 : memref<16xf32, #tpu.memory_space<hbm>>) dst(%arg9 : memref<16xf32, #tpu.memory_space<vmem>>)
      tpu.yield
    }) : () -> ()
    %dma_start3A = arith.constant 0 : i32
    %dma_start3A_3 = arith.constant 0 : i32
    %dma_start3A_4 = tpu.memref_slice %arg7[%dma_start3A_3] : memref<13312xf32, #tpu.memory_space<vmem>> -> memref<128xf32, #tpu.memory_space<vmem>>
    %dma_start3A_5 = arith.constant 0 : i32
    %dma_start3A_6 = tpu.memref_slice %arg6[%dma_start3A, %dma_start3A_5] : memref<104x128xi32, #tpu.memory_space<vmem>> -> memref<1x128xi32, #tpu.memory_space<vmem>>
    %dma_start3A_7 = tpu.memref_squeeze %dma_start3A_6 : memref<1x128xi32, #tpu.memory_space<vmem>> -> memref<128xi32, #tpu.memory_space<vmem>>
    %dma_start3A_8 = arith.constant 0 : i32
    %dma_start3A_9 = tpu.memref_slice %arg3[%dma_start3A_8] : memref<2600960xf32, #tpu.memory_space<hbm>> -> memref<2600960xf32, #tpu.memory_space<hbm>>
    tpu.enqueue_indirect_dma source(%dma_start3A_9 : memref<2600960xf32, #tpu.memory_space<hbm>>) target(%dma_start3A_4 : memref<128xf32, #tpu.memory_space<vmem>>) offsets(%dma_start3A_7 : memref<128xi32, #tpu.memory_space<vmem>>) semaphore(%arg10 : memref<!tpu.dma_semaphore, #tpu.memory_space<semaphore_mem>>)
    %dma_start3A_10 = arith.constant 1 : i32
    %dma_start3A_11 = arith.constant 128 : i32
    %dma_start3A_12 = tpu.memref_slice %arg7[%dma_start3A_11] : memref<13312xf32, #tpu.memory_space<vmem>> -> memref<128xf32, #tpu.memory_space<vmem>>
    %dma_start3A_13 = arith.constant 0 : i32
    %dma_start3A_14 = tpu.memref_slice %arg6[%dma_start3A_10, %dma_start3A_13] : memref<104x128xi32, #tpu.memory_space<vmem>> -> memref<1x128xi32, #tpu.memory_space<vmem>>
    %dma_start3A_15 = tpu.memref_squeeze %dma_start3A_14 : memref<1x128xi32, #tpu.memory_space<vmem>> -> memref<128xi32, #tpu.memory_space<vmem>>
    %dma_start3A_16 = arith.constant 0 : i32
    %dma_start3A_17 = tpu.memref_slice %arg3[%dma_start3A_16] : memref<2600960xf32, #tpu.memory_space<hbm>> -> memref<2600960xf32, #tpu.memory_space<hbm>>
    tpu.enqueue_indirect_dma source(%dma_start3A_17 : memref<2600960xf32, #tpu.memory_space<hbm>>) target(%dma_start3A_12 : memref<128xf32, #tpu.memory_space<vmem>>) offsets(%dma_start3A_15 : memref<128xi32, #tpu.memory_space<vmem>>) semaphore(%arg10 : memref<!tpu.dma_semaphore, #tpu.memory_space<semaphore_mem>>)
    %dma_start3A_18 = arith.constant 2 : i32
    %dma_start3A_19 = arith.constant 256 : i32
    %dma_start3A_20 = tpu.memref_slice %arg7[%dma_start3A_19] : memref<13312xf32, #tpu.memory_space<vmem>> -> memref<128xf32, #tpu.memory_space<vmem>>
    %dma_start3A_21 = arith.constant 0 : i32
    %dma_start3A_22 = tpu.memref_slice %arg6[%dma_start3A_18, %dma_start3A_21] : memref<104x128xi32, #tpu.memory_space<vmem>> -> memref<1x128xi32, #tpu.memory_space<vmem>>
    %dma_start3A_23 = tpu.memref_squeeze %dma_start3A_22 : memref<1x128xi32, #tpu.memory_space<vmem>> -> memref<128xi32, #tpu.memory_space<vmem>>
    %dma_start3A_24 = arith.constant 0 : i32
    %dma_start3A_25 = tpu.memref_slice %arg3[%dma_start3A_24] : memref<2600960xf32, #tpu.memory_space<hbm>> -> memref<2600960xf32, #tpu.memory_space<hbm>>
    tpu.enqueue_indirect_dma source(%dma_start3A_25 : memref<2600960xf32, #tpu.memory_space<hbm>>) target(%dma_start3A_20 : memref<128xf32, #tpu.memory_space<vmem>>) offsets(%dma_start3A_23 : memref<128xi32, #tpu.memory_space<vmem>>) semaphore(%arg10 : memref<!tpu.dma_semaphore, #tpu.memory_space<semaphore_mem>>)
    %dma_start3A_26 = arith.constant 3 : i32
    %dma_start3A_27 = arith.constant 384 : i32
    %dma_start3A_28 = tpu.memref_slice %arg7[%dma_start3A_27] : memref<13312xf32, #tpu.memory_space<vmem>> -> memref<128xf32, #tpu.memory_space<vmem>>
    %dma_start3A_29 = arith.constant 0 : i32
    %dma_start3A_30 = tpu.memref_slice %arg6[%dma_start3A_26, %dma_start3A_29] : memref<104x128xi32, #tpu.memory_space<vmem>> -> memref<1x128xi32, #tpu.memory_space<vmem>>
    %dma_start3A_31 = tpu.memref_squeeze %dma_start3A_30 : memref<1x128xi32, #tpu.memory_space<vmem>> -> memref<128xi32, #tpu.memory_space<vmem>>
    %dma_start3A_32 = arith.constant 0 : i32
    %dma_start3A_33 = tpu.memref_slice %arg3[%dma_start3A_32] : memref<2600960xf32, #tpu.memory_space<hbm>> -> memref<2600960xf32, #tpu.memory_space<hbm>>
    tpu.enqueue_indirect_dma source(%dma_start3A_33 : memref<2600960xf32, #tpu.memory_space<hbm>>) target(%dma_start3A_28 : memref<128xf32, #tpu.memory_space<vmem>>) offsets(%dma_start3A_31 : memref<128xi32, #tpu.memory_space<vmem>>) semaphore(%arg10 : memref<!tpu.dma_semaphore, #tpu.memory_space<semaphore_mem>>)
    %dma_start3A_34 = arith.constant 4 : i32
    %dma_start3A_35 = arith.constant 512 : i32
    %dma_start3A_36 = tpu.memref_slice %arg7[%dma_start3A_35] : memref<13312xf32, #tpu.memory_space<vmem>> -> memref<128xf32, #tpu.memory_space<vmem>>
    %dma_start3A_37 = arith.constant 0 : i32
    %dma_start3A_38 = tpu.memref_slice %arg6[%dma_start3A_34, %dma_start3A_37] : memref<104x128xi32, #tpu.memory_space<vmem>> -> memref<1x128xi32, #tpu.memory_space<vmem>>
    %dma_start3A_39 = tpu.memref_squeeze %dma_start3A_38 : memref<1x128xi32, #tpu.memory_space<vmem>> -> memref<128xi32, #tpu.memory_space<vmem>>
    %dma_start3A_40 = arith.constant 0 : i32
    %dma_start3A_41 = tpu.memref_slice %arg3[%dma_start3A_40] : memref<2600960xf32, #tpu.memory_space<hbm>> -> memref<2600960xf32, #tpu.memory_space<hbm>>
    tpu.enqueue_indirect_dma source(%dma_start3A_41 : memref<2600960xf32, #tpu.memory_space<hbm>>) target(%dma_start3A_36 : memref<128xf32, #tpu.memory_space<vmem>>) offsets(%dma_start3A_39 : memref<128xi32, #tpu.memory_space<vmem>>) semaphore(%arg10 : memref<!tpu.dma_semaphore, #tpu.memory_space<semaphore_mem>>)
    %dma_start3A_42 = arith.constant 5 : i32
    %dma_start3A_43 = arith.constant 640 : i32
    %dma_start3A_44 = tpu.memref_slice %arg7[%dma_start3A_43] : memref<13312xf32, #tpu.memory_space<vmem>> -> memref<128xf32, #tpu.memory_space<vmem>>
    %dma_start3A_45 = arith.constant 0 : i32
    %dma_start3A_46 = tpu.memref_slice %arg6[%dma_start3A_42, %dma_start3A_45] : memref<104x128xi32, #tpu.memory_space<vmem>> -> memref<1x128xi32, #tpu.memory_space<vmem>>
    %dma_start3A_47 = tpu.memref_squeeze %dma_start3A_46 : memref<1x128xi32, #tpu.memory_space<vmem>> -> memref<128xi32, #tpu.memory_space<vmem>>
    %dma_start3A_48 = arith.constant 0 : i32
    %dma_start3A_49 = tpu.memref_slice %arg3[%dma_start3A_48] : memref<2600960xf32, #tpu.memory_space<hbm>> -> memref<2600960xf32, #tpu.memory_space<hbm>>
    tpu.enqueue_indirect_dma source(%dma_start3A_49 : memref<2600960xf32, #tpu.memory_space<hbm>>) target(%dma_start3A_44 : memref<128xf32, #tpu.memory_space<vmem>>) offsets(%dma_start3A_47 : memref<128xi32, #tpu.memory_space<vmem>>) semaphore(%arg10 : memref<!tpu.dma_semaphore, #tpu.memory_space<semaphore_mem>>)
    %dma_start3A_50 = arith.constant 6 : i32
    %dma_start3A_51 = arith.constant 768 : i32
    %dma_start3A_52 = tpu.memref_slice %arg7[%dma_start3A_51] : memref<13312xf32, #tpu.memory_space<vmem>> -> memref<128xf32, #tpu.memory_space<vmem>>
    %dma_start3A_53 = arith.constant 0 : i32
    %dma_start3A_54 = tpu.memref_slice %arg6[%dma_start3A_50, %dma_start3A_53] : memref<104x128xi32, #tpu.memory_space<vmem>> -> memref<1x128xi32, #tpu.memory_space<vmem>>
    %dma_start3A_55 = tpu.memref_squeeze %dma_start3A_54 : memref<1x128xi32, #tpu.memory_space<vmem>> -> memref<128xi32, #tpu.memory_space<vmem>>
    %dma_start3A_56 = arith.constant 0 : i32
    %dma_start3A_57 = tpu.memref_slice %arg3[%dma_start3A_56] : memref<2600960xf32, #tpu.memory_space<hbm>> -> memref<2600960xf32, #tpu.memory_space<hbm>>
    tpu.enqueue_indirect_dma source(%dma_start3A_57 : memref<2600960xf32, #tpu.memory_space<hbm>>) target(%dma_start3A_52 : memref<128xf32, #tpu.memory_space<vmem>>) offsets(%dma_start3A_55 : memref<128xi32, #tpu.memory_space<vmem>>) semaphore(%arg10 : memref<!tpu.dma_semaphore, #tpu.memory_space<semaphore_mem>>)
    %dma_start3A_58 = arith.constant 7 : i32
    %dma_start3A_59 = arith.constant 896 : i32
    %dma_start3A_60 = tpu.memref_slice %arg7[%dma_start3A_59] : memref<13312xf32, #tpu.memory_space<vmem>> -> memref<128xf32, #tpu.memory_space<vmem>>
    %dma_start3A_61 = arith.constant 0 : i32
    %dma_start3A_62 = tpu.memref_slice %arg6[%dma_start3A_58, %dma_start3A_61] : memref<104x128xi32, #tpu.memory_space<vmem>> -> memref<1x128xi32, #tpu.memory_space<vmem>>
    %dma_start3A_63 = tpu.memref_squeeze %dma_start3A_62 : memref<1x128xi32, #tpu.memory_space<vmem>> -> memref<128xi32, #tpu.memory_space<vmem>>
    %dma_start3A_64 = arith.constant 0 : i32
    %dma_start3A_65 = tpu.memref_slice %arg3[%dma_start3A_64] : memref<2600960xf32, #tpu.memory_space<hbm>> -> memref<2600960xf32, #tpu.memory_space<hbm>>
    tpu.enqueue_indirect_dma source(%dma_start3A_65 : memref<2600960xf32, #tpu.memory_space<hbm>>) target(%dma_start3A_60 : memref<128xf32, #tpu.memory_space<vmem>>) offsets(%dma_start3A_63 : memref<128xi32, #tpu.memory_space<vmem>>) semaphore(%arg10 : memref<!tpu.dma_semaphore, #tpu.memory_space<semaphore_mem>>)
    %dma_start3A_66 = arith.constant 8 : i32
    %dma_start3A_67 = arith.constant 1024 : i32
    %dma_start3A_68 = tpu.memref_slice %arg7[%dma_start3A_67] : memref<13312xf32, #tpu.memory_space<vmem>> -> memref<128xf32, #tpu.memory_space<vmem>>
    %dma_start3A_69 = arith.constant 0 : i32
    %dma_start3A_70 = tpu.memref_slice %arg6[%dma_start3A_66, %dma_start3A_69] : memref<104x128xi32, #tpu.memory_space<vmem>> -> memref<1x128xi32, #tpu.memory_space<vmem>>
    %dma_start3A_71 = tpu.memref_squeeze %dma_start3A_70 : memref<1x128xi32, #tpu.memory_space<vmem>> -> memref<128xi32, #tpu.memory_space<vmem>>
    %dma_start3A_72 = arith.constant 0 : i32
    %dma_start3A_73 = tpu.memref_slice %arg3[%dma_start3A_72] : memref<2600960xf32, #tpu.memory_space<hbm>> -> memref<2600960xf32, #tpu.memory_space<hbm>>
    tpu.enqueue_indirect_dma source(%dma_start3A_73 : memref<2600960xf32, #tpu.memory_space<hbm>>) target(%dma_start3A_68 : memref<128xf32, #tpu.memory_space<vmem>>) offsets(%dma_start3A_71 : memref<128xi32, #tpu.memory_space<vmem>>) semaphore(%arg10 : memref<!tpu.dma_semaphore, #tpu.memory_space<semaphore_mem>>)
    %dma_start3A_74 = arith.constant 9 : i32
    %dma_start3A_75 = arith.constant 1152 : i32
    %dma_start3A_76 = tpu.memref_slice %arg7[%dma_start3A_75] : memref<13312xf32, #tpu.memory_space<vmem>> -> memref<128xf32, #tpu.memory_space<vmem>>
    %dma_start3A_77 = arith.constant 0 : i32
    %dma_start3A_78 = tpu.memref_slice %arg6[%dma_start3A_74, %dma_start3A_77] : memref<104x128xi32, #tpu.memory_space<vmem>> -> memref<1x128xi32, #tpu.memory_space<vmem>>
    %dma_start3A_79 = tpu.memref_squeeze %dma_start3A_78 : memref<1x128xi32, #tpu.memory_space<vmem>> -> memref<128xi32, #tpu.memory_space<vmem>>
    %dma_start3A_80 = arith.constant 0 : i32
    %dma_start3A_81 = tpu.memref_slice %arg3[%dma_start3A_80] : memref<2600960xf32, #tpu.memory_space<hbm>> -> memref<2600960xf32, #tpu.memory_space<hbm>>
    tpu.enqueue_indirect_dma source(%dma_start3A_81 : memref<2600960xf32, #tpu.memory_space<hbm>>) target(%dma_start3A_76 : memref<128xf32, #tpu.memory_space<vmem>>) offsets(%dma_start3A_79 : memref<128xi32, #tpu.memory_space<vmem>>) semaphore(%arg10 : memref<!tpu.dma_semaphore, #tpu.memory_space<semaphore_mem>>)
    %dma_start3A_82 = arith.constant 10 : i32
    %dma_start3A_83 = arith.constant 1280 : i32
    %dma_start3A_84 = tpu.memref_slice %arg7[%dma_start3A_83] : memref<13312xf32, #tpu.memory_space<vmem>> -> memref<128xf32, #tpu.memory_space<vmem>>
    %dma_start3A_85 = arith.constant 0 : i32
    %dma_start3A_86 = tpu.memref_slice %arg6[%dma_start3A_82, %dma_start3A_85] : memref<104x128xi32, #tpu.memory_space<vmem>> -> memref<1x128xi32, #tpu.memory_space<vmem>>
    %dma_start3A_87 = tpu.memref_squeeze %dma_start3A_86 : memref<1x128xi32, #tpu.memory_space<vmem>> -> memref<128xi32, #tpu.memory_space<vmem>>
    %dma_start3A_88 = arith.constant 0 : i32
    %dma_start3A_89 = tpu.memref_slice %arg3[%dma_start3A_88] : memref<2600960xf32, #tpu.memory_space<hbm>> -> memref<2600960xf32, #tpu.memory_space<hbm>>
    tpu.enqueue_indirect_dma source(%dma_start3A_89 : memref<2600960xf32, #tpu.memory_space<hbm>>) target(%dma_start3A_84 : memref<128xf32, #tpu.memory_space<vmem>>) offsets(%dma_start3A_87 : memref<128xi32, #tpu.memory_space<vmem>>) semaphore(%arg10 : memref<!tpu.dma_semaphore, #tpu.memory_space<semaphore_mem>>)
    %dma_start3A_90 = arith.constant 11 : i32
    %dma_start3A_91 = arith.constant 1408 : i32
    %dma_start3A_92 = tpu.memref_slice %arg7[%dma_start3A_91] : memref<13312xf32, #tpu.memory_space<vmem>> -> memref<128xf32, #tpu.memory_space<vmem>>
    %dma_start3A_93 = arith.constant 0 : i32
    %dma_start3A_94 = tpu.memref_slice %arg6[%dma_start3A_90, %dma_start3A_93] : memref<104x128xi32, #tpu.memory_space<vmem>> -> memref<1x128xi32, #tpu.memory_space<vmem>>
    %dma_start3A_95 = tpu.memref_squeeze %dma_start3A_94 : memref<1x128xi32, #tpu.memory_space<vmem>> -> memref<128xi32, #tpu.memory_space<vmem>>
    %dma_start3A_96 = arith.constant 0 : i32
    %dma_start3A_97 = tpu.memref_slice %arg3[%dma_start3A_96] : memref<2600960xf32, #tpu.memory_space<hbm>> -> memref<2600960xf32, #tpu.memory_space<hbm>>
    tpu.enqueue_indirect_dma source(%dma_start3A_97 : memref<2600960xf32, #tpu.memory_space<hbm>>) target(%dma_start3A_92 : memref<128xf32, #tpu.memory_space<vmem>>) offsets(%dma_start3A_95 : memref<128xi32, #tpu.memory_space<vmem>>) semaphore(%arg10 : memref<!tpu.dma_semaphore, #tpu.memory_space<semaphore_mem>>)
    %dma_start3A_98 = arith.constant 12 : i32
    %dma_start3A_99 = arith.constant 1536 : i32
    %dma_start3A_100 = tpu.memref_slice %arg7[%dma_start3A_99] : memref<13312xf32, #tpu.memory_space<vmem>> -> memref<128xf32, #tpu.memory_space<vmem>>
    %dma_start3A_101 = arith.constant 0 : i32
    %dma_start3A_102 = tpu.memref_slice %arg6[%dma_start3A_98, %dma_start3A_101] : memref<104x128xi32, #tpu.memory_space<vmem>> -> memref<1x128xi32, #tpu.memory_space<vmem>>
    %dma_start3A_103 = tpu.memref_squeeze %dma_start3A_102 : memref<1x128xi32, #tpu.memory_space<vmem>> -> memref<128xi32, #tpu.memory_space<vmem>>
    %dma_start3A_104 = arith.constant 0 : i32
    %dma_start3A_105 = tpu.memref_slice %arg3[%dma_start3A_104] : memref<2600960xf32, #tpu.memory_space<hbm>> -> memref<2600960xf32, #tpu.memory_space<hbm>>
    tpu.enqueue_indirect_dma source(%dma_start3A_105 : memref<2600960xf32, #tpu.memory_space<hbm>>) target(%dma_start3A_100 : memref<128xf32, #tpu.memory_space<vmem>>) offsets(%dma_start3A_103 : memref<128xi32, #tpu.memory_space<vmem>>) semaphore(%arg10 : memref<!tpu.dma_semaphore, #tpu.memory_space<semaphore_mem>>)
    %dma_start3A_106 = arith.constant 13 : i32
    %dma_start3A_107 = arith.constant 1664 : i32
    %dma_start3A_108 = tpu.memref_slice %arg7[%dma_start3A_107] : memref<13312xf32, #tpu.memory_space<vmem>> -> memref<128xf32, #tpu.memory_space<vmem>>
    %dma_start3A_109 = arith.constant 0 : i32
    %dma_start3A_110 = tpu.memref_slice %arg6[%dma_start3A_106, %dma_start3A_109] : memref<104x128xi32, #tpu.memory_space<vmem>> -> memref<1x128xi32, #tpu.memory_space<vmem>>
    %dma_start3A_111 = tpu.memref_squeeze %dma_start3A_110 : memref<1x128xi32, #tpu.memory_space<vmem>> -> memref<128xi32, #tpu.memory_space<vmem>>
    %dma_start3A_112 = arith.constant 0 : i32
    %dma_start3A_113 = tpu.memref_slice %arg3[%dma_start3A_112] : memref<2600960xf32, #tpu.memory_space<hbm>> -> memref<2600960xf32, #tpu.memory_space<hbm>>
    tpu.enqueue_indirect_dma source(%dma_start3A_113 : memref<2600960xf32, #tpu.memory_space<hbm>>) target(%dma_start3A_108 : memref<128xf32, #tpu.memory_space<vmem>>) offsets(%dma_start3A_111 : memref<128xi32, #tpu.memory_space<vmem>>) semaphore(%arg10 : memref<!tpu.dma_semaphore, #tpu.memory_space<semaphore_mem>>)
    %dma_start3A_114 = arith.constant 14 : i32
    %dma_start3A_115 = arith.constant 1792 : i32
    %dma_start3A_116 = tpu.memref_slice %arg7[%dma_start3A_115] : memref<13312xf32, #tpu.memory_space<vmem>> -> memref<128xf32, #tpu.memory_space<vmem>>
    %dma_start3A_117 = arith.constant 0 : i32
    %dma_start3A_118 = tpu.memref_slice %arg6[%dma_start3A_114, %dma_start3A_117] : memref<104x128xi32, #tpu.memory_space<vmem>> -> memref<1x128xi32, #tpu.memory_space<vmem>>
    %dma_start3A_119 = tpu.memref_squeeze %dma_start3A_118 : memref<1x128xi32, #tpu.memory_space<vmem>> -> memref<128xi32, #tpu.memory_space<vmem>>
    %dma_start3A_120 = arith.constant 0 : i32
    %dma_start3A_121 = tpu.memref_slice %arg3[%dma_start3A_120] : memref<2600960xf32, #tpu.memory_space<hbm>> -> memref<2600960xf32, #tpu.memory_space<hbm>>
    tpu.enqueue_indirect_dma source(%dma_start3A_121 : memref<2600960xf32, #tpu.memory_space<hbm>>) target(%dma_start3A_116 : memref<128xf32, #tpu.memory_space<vmem>>) offsets(%dma_start3A_119 : memref<128xi32, #tpu.memory_space<vmem>>) semaphore(%arg10 : memref<!tpu.dma_semaphore, #tpu.memory_space<semaphore_mem>>)
    %dma_start3A_122 = arith.constant 15 : i32
    %dma_start3A_123 = arith.constant 1920 : i32
    %dma_start3A_124 = tpu.memref_slice %arg7[%dma_start3A_123] : memref<13312xf32, #tpu.memory_space<vmem>> -> memref<128xf32, #tpu.memory_space<vmem>>
    %dma_start3A_125 = arith.constant 0 : i32
    %dma_start3A_126 = tpu.memref_slice %arg6[%dma_start3A_122, %dma_start3A_125] : memref<104x128xi32, #tpu.memory_space<vmem>> -> memref<1x128xi32, #tpu.memory_space<vmem>>
    %dma_start3A_127 = tpu.memref_squeeze %dma_start3A_126 : memref<1x128xi32, #tpu.memory_space<vmem>> -> memref<128xi32, #tpu.memory_space<vmem>>
    %dma_start3A_128 = arith.constant 0 : i32
    %dma_start3A_129 = tpu.memref_slice %arg3[%dma_start3A_128] : memref<2600960xf32, #tpu.memory_space<hbm>> -> memref<2600960xf32, #tpu.memory_space<hbm>>
    tpu.enqueue_indirect_dma source(%dma_start3A_129 : memref<2600960xf32, #tpu.memory_space<hbm>>) target(%dma_start3A_124 : memref<128xf32, #tpu.memory_space<vmem>>) offsets(%dma_start3A_127 : memref<128xi32, #tpu.memory_space<vmem>>) semaphore(%arg10 : memref<!tpu.dma_semaphore, #tpu.memory_space<semaphore_mem>>)
    %dma_start3A_130 = arith.constant 16 : i32
    %dma_start3A_131 = arith.constant 2048 : i32
    %dma_start3A_132 = tpu.memref_slice %arg7[%dma_start3A_131] : memref<13312xf32, #tpu.memory_space<vmem>> -> memref<128xf32, #tpu.memory_space<vmem>>
    %dma_start3A_133 = arith.constant 0 : i32
    %dma_start3A_134 = tpu.memref_slice %arg6[%dma_start3A_130, %dma_start3A_133] : memref<104x128xi32, #tpu.memory_space<vmem>> -> memref<1x128xi32, #tpu.memory_space<vmem>>
    %dma_start3A_135 = tpu.memref_squeeze %dma_start3A_134 : memref<1x128xi32, #tpu.memory_space<vmem>> -> memref<128xi32, #tpu.memory_space<vmem>>
    %dma_start3A_136 = arith.constant 0 : i32
    %dma_start3A_137 = tpu.memref_slice %arg3[%dma_start3A_136] : memref<2600960xf32, #tpu.memory_space<hbm>> -> memref<2600960xf32, #tpu.memory_space<hbm>>
    tpu.enqueue_indirect_dma source(%dma_start3A_137 : memref<2600960xf32, #tpu.memory_space<hbm>>) target(%dma_start3A_132 : memref<128xf32, #tpu.memory_space<vmem>>) offsets(%dma_start3A_135 : memref<128xi32, #tpu.memory_space<vmem>>) semaphore(%arg10 : memref<!tpu.dma_semaphore, #tpu.memory_space<semaphore_mem>>)
    %dma_start3A_138 = arith.constant 17 : i32
    %dma_start3A_139 = arith.constant 2176 : i32
    %dma_start3A_140 = tpu.memref_slice %arg7[%dma_start3A_139] : memref<13312xf32, #tpu.memory_space<vmem>> -> memref<128xf32, #tpu.memory_space<vmem>>
    %dma_start3A_141 = arith.constant 0 : i32
    %dma_start3A_142 = tpu.memref_slice %arg6[%dma_start3A_138, %dma_start3A_141] : memref<104x128xi32, #tpu.memory_space<vmem>> -> memref<1x128xi32, #tpu.memory_space<vmem>>
    %dma_start3A_143 = tpu.memref_squeeze %dma_start3A_142 : memref<1x128xi32, #tpu.memory_space<vmem>> -> memref<128xi32, #tpu.memory_space<vmem>>
    %dma_start3A_144 = arith.constant 0 : i32
    %dma_start3A_145 = tpu.memref_slice %arg3[%dma_start3A_144] : memref<2600960xf32, #tpu.memory_space<hbm>> -> memref<2600960xf32, #tpu.memory_space<hbm>>
    tpu.enqueue_indirect_dma source(%dma_start3A_145 : memref<2600960xf32, #tpu.memory_space<hbm>>) target(%dma_start3A_140 : memref<128xf32, #tpu.memory_space<vmem>>) offsets(%dma_start3A_143 : memref<128xi32, #tpu.memory_space<vmem>>) semaphore(%arg10 : memref<!tpu.dma_semaphore, #tpu.memory_space<semaphore_mem>>)
    %dma_start3A_146 = arith.constant 18 : i32
    %dma_start3A_147 = arith.constant 2304 : i32
    %dma_start3A_148 = tpu.memref_slice %arg7[%dma_start3A_147] : memref<13312xf32, #tpu.memory_space<vmem>> -> memref<128xf32, #tpu.memory_space<vmem>>
    %dma_start3A_149 = arith.constant 0 : i32
    %dma_start3A_150 = tpu.memref_slice %arg6[%dma_start3A_146, %dma_start3A_149] : memref<104x128xi32, #tpu.memory_space<vmem>> -> memref<1x128xi32, #tpu.memory_space<vmem>>
    %dma_start3A_151 = tpu.memref_squeeze %dma_start3A_150 : memref<1x128xi32, #tpu.memory_space<vmem>> -> memref<128xi32, #tpu.memory_space<vmem>>
    %dma_start3A_152 = arith.constant 0 : i32
    %dma_start3A_153 = tpu.memref_slice %arg3[%dma_start3A_152] : memref<2600960xf32, #tpu.memory_space<hbm>> -> memref<2600960xf32, #tpu.memory_space<hbm>>
    tpu.enqueue_indirect_dma source(%dma_start3A_153 : memref<2600960xf32, #tpu.memory_space<hbm>>) target(%dma_start3A_148 : memref<128xf32, #tpu.memory_space<vmem>>) offsets(%dma_start3A_151 : memref<128xi32, #tpu.memory_space<vmem>>) semaphore(%arg10 : memref<!tpu.dma_semaphore, #tpu.memory_space<semaphore_mem>>)
    %dma_start3A_154 = arith.constant 19 : i32
    %dma_start3A_155 = arith.constant 2432 : i32
    %dma_start3A_156 = tpu.memref_slice %arg7[%dma_start3A_155] : memref<13312xf32, #tpu.memory_space<vmem>> -> memref<128xf32, #tpu.memory_space<vmem>>
    %dma_start3A_157 = arith.constant 0 : i32
    %dma_start3A_158 = tpu.memref_slice %arg6[%dma_start3A_154, %dma_start3A_157] : memref<104x128xi32, #tpu.memory_space<vmem>> -> memref<1x128xi32, #tpu.memory_space<vmem>>
    %dma_start3A_159 = tpu.memref_squeeze %dma_start3A_158 : memref<1x128xi32, #tpu.memory_space<vmem>> -> memref<128xi32, #tpu.memory_space<vmem>>
    %dma_start3A_160 = arith.constant 0 : i32
    %dma_start3A_161 = tpu.memref_slice %arg3[%dma_start3A_160] : memref<2600960xf32, #tpu.memory_space<hbm>> -> memref<2600960xf32, #tpu.memory_space<hbm>>
    tpu.enqueue_indirect_dma source(%dma_start3A_161 : memref<2600960xf32, #tpu.memory_space<hbm>>) target(%dma_start3A_156 : memref<128xf32, #tpu.memory_space<vmem>>) offsets(%dma_start3A_159 : memref<128xi32, #tpu.memory_space<vmem>>) semaphore(%arg10 : memref<!tpu.dma_semaphore, #tpu.memory_space<semaphore_mem>>)
    %dma_start3A_162 = arith.constant 20 : i32
    %dma_start3A_163 = arith.constant 2560 : i32
    %dma_start3A_164 = tpu.memref_slice %arg7[%dma_start3A_163] : memref<13312xf32, #tpu.memory_space<vmem>> -> memref<128xf32, #tpu.memory_space<vmem>>
    %dma_start3A_165 = arith.constant 0 : i32
    %dma_start3A_166 = tpu.memref_slice %arg6[%dma_start3A_162, %dma_start3A_165] : memref<104x128xi32, #tpu.memory_space<vmem>> -> memref<1x128xi32, #tpu.memory_space<vmem>>
    %dma_start3A_167 = tpu.memref_squeeze %dma_start3A_166 : memref<1x128xi32, #tpu.memory_space<vmem>> -> memref<128xi32, #tpu.memory_space<vmem>>
    %dma_start3A_168 = arith.constant 0 : i32
    %dma_start3A_169 = tpu.memref_slice %arg3[%dma_start3A_168] : memref<2600960xf32, #tpu.memory_space<hbm>> -> memref<2600960xf32, #tpu.memory_space<hbm>>
    tpu.enqueue_indirect_dma source(%dma_start3A_169 : memref<2600960xf32, #tpu.memory_space<hbm>>) target(%dma_start3A_164 : memref<128xf32, #tpu.memory_space<vmem>>) offsets(%dma_start3A_167 : memref<128xi32, #tpu.memory_space<vmem>>) semaphore(%arg10 : memref<!tpu.dma_semaphore, #tpu.memory_space<semaphore_mem>>)
    %dma_start3A_170 = arith.constant 21 : i32
    %dma_start3A_171 = arith.constant 2688 : i32
    %dma_start3A_172 = tpu.memref_slice %arg7[%dma_start3A_171] : memref<13312xf32, #tpu.memory_space<vmem>> -> memref<128xf32, #tpu.memory_space<vmem>>
    %dma_start3A_173 = arith.constant 0 : i32
    %dma_start3A_174 = tpu.memref_slice %arg6[%dma_start3A_170, %dma_start3A_173] : memref<104x128xi32, #tpu.memory_space<vmem>> -> memref<1x128xi32, #tpu.memory_space<vmem>>
    %dma_start3A_175 = tpu.memref_squeeze %dma_start3A_174 : memref<1x128xi32, #tpu.memory_space<vmem>> -> memref<128xi32, #tpu.memory_space<vmem>>
    %dma_start3A_176 = arith.constant 0 : i32
    %dma_start3A_177 = tpu.memref_slice %arg3[%dma_start3A_176] : memref<2600960xf32, #tpu.memory_space<hbm>> -> memref<2600960xf32, #tpu.memory_space<hbm>>
    tpu.enqueue_indirect_dma source(%dma_start3A_177 : memref<2600960xf32, #tpu.memory_space<hbm>>) target(%dma_start3A_172 : memref<128xf32, #tpu.memory_space<vmem>>) offsets(%dma_start3A_175 : memref<128xi32, #tpu.memory_space<vmem>>) semaphore(%arg10 : memref<!tpu.dma_semaphore, #tpu.memory_space<semaphore_mem>>)
    %dma_start3A_178 = arith.constant 22 : i32
    %dma_start3A_179 = arith.constant 2816 : i32
    %dma_start3A_180 = tpu.memref_slice %arg7[%dma_start3A_179] : memref<13312xf32, #tpu.memory_space<vmem>> -> memref<128xf32, #tpu.memory_space<vmem>>
    %dma_start3A_181 = arith.constant 0 : i32
    %dma_start3A_182 = tpu.memref_slice %arg6[%dma_start3A_178, %dma_start3A_181] : memref<104x128xi32, #tpu.memory_space<vmem>> -> memref<1x128xi32, #tpu.memory_space<vmem>>
    %dma_start3A_183 = tpu.memref_squeeze %dma_start3A_182 : memref<1x128xi32, #tpu.memory_space<vmem>> -> memref<128xi32, #tpu.memory_space<vmem>>
    %dma_start3A_184 = arith.constant 0 : i32
    %dma_start3A_185 = tpu.memref_slice %arg3[%dma_start3A_184] : memref<2600960xf32, #tpu.memory_space<hbm>> -> memref<2600960xf32, #tpu.memory_space<hbm>>
    tpu.enqueue_indirect_dma source(%dma_start3A_185 : memref<2600960xf32, #tpu.memory_space<hbm>>) target(%dma_start3A_180 : memref<128xf32, #tpu.memory_space<vmem>>) offsets(%dma_start3A_183 : memref<128xi32, #tpu.memory_space<vmem>>) semaphore(%arg10 : memref<!tpu.dma_semaphore, #tpu.memory_space<semaphore_mem>>)
    %dma_start3A_186 = arith.constant 23 : i32
    %dma_start3A_187 = arith.constant 2944 : i32
    %dma_start3A_188 = tpu.memref_slice %arg7[%dma_start3A_187] : memref<13312xf32, #tpu.memory_space<vmem>> -> memref<128xf32, #tpu.memory_space<vmem>>
    %dma_start3A_189 = arith.constant 0 : i32
    %dma_start3A_190 = tpu.memref_slice %arg6[%dma_start3A_186, %dma_start3A_189] : memref<104x128xi32, #tpu.memory_space<vmem>> -> memref<1x128xi32, #tpu.memory_space<vmem>>
    %dma_start3A_191 = tpu.memref_squeeze %dma_start3A_190 : memref<1x128xi32, #tpu.memory_space<vmem>> -> memref<128xi32, #tpu.memory_space<vmem>>
    %dma_start3A_192 = arith.constant 0 : i32
    %dma_start3A_193 = tpu.memref_slice %arg3[%dma_start3A_192] : memref<2600960xf32, #tpu.memory_space<hbm>> -> memref<2600960xf32, #tpu.memory_space<hbm>>
    tpu.enqueue_indirect_dma source(%dma_start3A_193 : memref<2600960xf32, #tpu.memory_space<hbm>>) target(%dma_start3A_188 : memref<128xf32, #tpu.memory_space<vmem>>) offsets(%dma_start3A_191 : memref<128xi32, #tpu.memory_space<vmem>>) semaphore(%arg10 : memref<!tpu.dma_semaphore, #tpu.memory_space<semaphore_mem>>)
    %dma_start3A_194 = arith.constant 24 : i32
    %dma_start3A_195 = arith.constant 3072 : i32
    %dma_start3A_196 = tpu.memref_slice %arg7[%dma_start3A_195] : memref<13312xf32, #tpu.memory_space<vmem>> -> memref<128xf32, #tpu.memory_space<vmem>>
    %dma_start3A_197 = arith.constant 0 : i32
    %dma_start3A_198 = tpu.memref_slice %arg6[%dma_start3A_194, %dma_start3A_197] : memref<104x128xi32, #tpu.memory_space<vmem>> -> memref<1x128xi32, #tpu.memory_space<vmem>>
    %dma_start3A_199 = tpu.memref_squeeze %dma_start3A_198 : memref<1x128xi32, #tpu.memory_space<vmem>> -> memref<128xi32, #tpu.memory_space<vmem>>
    %dma_start3A_200 = arith.constant 0 : i32
    %dma_start3A_201 = tpu.memref_slice %arg3[%dma_start3A_200] : memref<2600960xf32, #tpu.memory_space<hbm>> -> memref<2600960xf32, #tpu.memory_space<hbm>>
    tpu.enqueue_indirect_dma source(%dma_start3A_201 : memref<2600960xf32, #tpu.memory_space<hbm>>) target(%dma_start3A_196 : memref<128xf32, #tpu.memory_space<vmem>>) offsets(%dma_start3A_199 : memref<128xi32, #tpu.memory_space<vmem>>) semaphore(%arg10 : memref<!tpu.dma_semaphore, #tpu.memory_space<semaphore_mem>>)
    %dma_start3A_202 = arith.constant 25 : i32
    %dma_start3A_203 = arith.constant 3200 : i32
    %dma_start3A_204 = tpu.memref_slice %arg7[%dma_start3A_203] : memref<13312xf32, #tpu.memory_space<vmem>> -> memref<128xf32, #tpu.memory_space<vmem>>
    %dma_start3A_205 = arith.constant 0 : i32
    %dma_start3A_206 = tpu.memref_slice %arg6[%dma_start3A_202, %dma_start3A_205] : memref<104x128xi32, #tpu.memory_space<vmem>> -> memref<1x128xi32, #tpu.memory_space<vmem>>
    %dma_start3A_207 = tpu.memref_squeeze %dma_start3A_206 : memref<1x128xi32, #tpu.memory_space<vmem>> -> memref<128xi32, #tpu.memory_space<vmem>>
    %dma_start3A_208 = arith.constant 0 : i32
    %dma_start3A_209 = tpu.memref_slice %arg3[%dma_start3A_208] : memref<2600960xf32, #tpu.memory_space<hbm>> -> memref<2600960xf32, #tpu.memory_space<hbm>>
    tpu.enqueue_indirect_dma source(%dma_start3A_209 : memref<2600960xf32, #tpu.memory_space<hbm>>) target(%dma_start3A_204 : memref<128xf32, #tpu.memory_space<vmem>>) offsets(%dma_start3A_207 : memref<128xi32, #tpu.memory_space<vmem>>) semaphore(%arg10 : memref<!tpu.dma_semaphore, #tpu.memory_space<semaphore_mem>>)
    %dma_start3A_210 = arith.constant 26 : i32
    %dma_start3A_211 = arith.constant 3328 : i32
    %dma_start3A_212 = tpu.memref_slice %arg7[%dma_start3A_211] : memref<13312xf32, #tpu.memory_space<vmem>> -> memref<128xf32, #tpu.memory_space<vmem>>
    %dma_start3A_213 = arith.constant 0 : i32
    %dma_start3A_214 = tpu.memref_slice %arg6[%dma_start3A_210, %dma_start3A_213] : memref<104x128xi32, #tpu.memory_space<vmem>> -> memref<1x128xi32, #tpu.memory_space<vmem>>
    %dma_start3A_215 = tpu.memref_squeeze %dma_start3A_214 : memref<1x128xi32, #tpu.memory_space<vmem>> -> memref<128xi32, #tpu.memory_space<vmem>>
    %dma_start3A_216 = arith.constant 0 : i32
    %dma_start3A_217 = tpu.memref_slice %arg3[%dma_start3A_216] : memref<2600960xf32, #tpu.memory_space<hbm>> -> memref<2600960xf32, #tpu.memory_space<hbm>>
    tpu.enqueue_indirect_dma source(%dma_start3A_217 : memref<2600960xf32, #tpu.memory_space<hbm>>) target(%dma_start3A_212 : memref<128xf32, #tpu.memory_space<vmem>>) offsets(%dma_start3A_215 : memref<128xi32, #tpu.memory_space<vmem>>) semaphore(%arg10 : memref<!tpu.dma_semaphore, #tpu.memory_space<semaphore_mem>>)
    %dma_start3A_218 = arith.constant 27 : i32
    %dma_start3A_219 = arith.constant 3456 : i32
    %dma_start3A_220 = tpu.memref_slice %arg7[%dma_start3A_219] : memref<13312xf32, #tpu.memory_space<vmem>> -> memref<128xf32, #tpu.memory_space<vmem>>
    %dma_start3A_221 = arith.constant 0 : i32
    %dma_start3A_222 = tpu.memref_slice %arg6[%dma_start3A_218, %dma_start3A_221] : memref<104x128xi32, #tpu.memory_space<vmem>> -> memref<1x128xi32, #tpu.memory_space<vmem>>
    %dma_start3A_223 = tpu.memref_squeeze %dma_start3A_222 : memref<1x128xi32, #tpu.memory_space<vmem>> -> memref<128xi32, #tpu.memory_space<vmem>>
    %dma_start3A_224 = arith.constant 0 : i32
    %dma_start3A_225 = tpu.memref_slice %arg3[%dma_start3A_224] : memref<2600960xf32, #tpu.memory_space<hbm>> -> memref<2600960xf32, #tpu.memory_space<hbm>>
    tpu.enqueue_indirect_dma source(%dma_start3A_225 : memref<2600960xf32, #tpu.memory_space<hbm>>) target(%dma_start3A_220 : memref<128xf32, #tpu.memory_space<vmem>>) offsets(%dma_start3A_223 : memref<128xi32, #tpu.memory_space<vmem>>) semaphore(%arg10 : memref<!tpu.dma_semaphore, #tpu.memory_space<semaphore_mem>>)
    %dma_start3A_226 = arith.constant 28 : i32
    %dma_start3A_227 = arith.constant 3584 : i32
    %dma_start3A_228 = tpu.memref_slice %arg7[%dma_start3A_227] : memref<13312xf32, #tpu.memory_space<vmem>> -> memref<128xf32, #tpu.memory_space<vmem>>
    %dma_start3A_229 = arith.constant 0 : i32
    %dma_start3A_230 = tpu.memref_slice %arg6[%dma_start3A_226, %dma_start3A_229] : memref<104x128xi32, #tpu.memory_space<vmem>> -> memref<1x128xi32, #tpu.memory_space<vmem>>
    %dma_start3A_231 = tpu.memref_squeeze %dma_start3A_230 : memref<1x128xi32, #tpu.memory_space<vmem>> -> memref<128xi32, #tpu.memory_space<vmem>>
    %dma_start3A_232 = arith.constant 0 : i32
    %dma_start3A_233 = tpu.memref_slice %arg3[%dma_start3A_232] : memref<2600960xf32, #tpu.memory_space<hbm>> -> memref<2600960xf32, #tpu.memory_space<hbm>>
    tpu.enqueue_indirect_dma source(%dma_start3A_233 : memref<2600960xf32, #tpu.memory_space<hbm>>) target(%dma_start3A_228 : memref<128xf32, #tpu.memory_space<vmem>>) offsets(%dma_start3A_231 : memref<128xi32, #tpu.memory_space<vmem>>) semaphore(%arg10 : memref<!tpu.dma_semaphore, #tpu.memory_space<semaphore_mem>>)
    %dma_start3A_234 = arith.constant 29 : i32
    %dma_start3A_235 = arith.constant 3712 : i32
    %dma_start3A_236 = tpu.memref_slice %arg7[%dma_start3A_235] : memref<13312xf32, #tpu.memory_space<vmem>> -> memref<128xf32, #tpu.memory_space<vmem>>
    %dma_start3A_237 = arith.constant 0 : i32
    %dma_start3A_238 = tpu.memref_slice %arg6[%dma_start3A_234, %dma_start3A_237] : memref<104x128xi32, #tpu.memory_space<vmem>> -> memref<1x128xi32, #tpu.memory_space<vmem>>
    %dma_start3A_239 = tpu.memref_squeeze %dma_start3A_238 : memref<1x128xi32, #tpu.memory_space<vmem>> -> memref<128xi32, #tpu.memory_space<vmem>>
    %dma_start3A_240 = arith.constant 0 : i32
    %dma_start3A_241 = tpu.memref_slice %arg3[%dma_start3A_240] : memref<2600960xf32, #tpu.memory_space<hbm>> -> memref<2600960xf32, #tpu.memory_space<hbm>>
    tpu.enqueue_indirect_dma source(%dma_start3A_241 : memref<2600960xf32, #tpu.memory_space<hbm>>) target(%dma_start3A_236 : memref<128xf32, #tpu.memory_space<vmem>>) offsets(%dma_start3A_239 : memref<128xi32, #tpu.memory_space<vmem>>) semaphore(%arg10 : memref<!tpu.dma_semaphore, #tpu.memory_space<semaphore_mem>>)
    %dma_start3A_242 = arith.constant 30 : i32
    %dma_start3A_243 = arith.constant 3840 : i32
    %dma_start3A_244 = tpu.memref_slice %arg7[%dma_start3A_243] : memref<13312xf32, #tpu.memory_space<vmem>> -> memref<128xf32, #tpu.memory_space<vmem>>
    %dma_start3A_245 = arith.constant 0 : i32
    %dma_start3A_246 = tpu.memref_slice %arg6[%dma_start3A_242, %dma_start3A_245] : memref<104x128xi32, #tpu.memory_space<vmem>> -> memref<1x128xi32, #tpu.memory_space<vmem>>
    %dma_start3A_247 = tpu.memref_squeeze %dma_start3A_246 : memref<1x128xi32, #tpu.memory_space<vmem>> -> memref<128xi32, #tpu.memory_space<vmem>>
    %dma_start3A_248 = arith.constant 0 : i32
    %dma_start3A_249 = tpu.memref_slice %arg3[%dma_start3A_248] : memref<2600960xf32, #tpu.memory_space<hbm>> -> memref<2600960xf32, #tpu.memory_space<hbm>>
    tpu.enqueue_indirect_dma source(%dma_start3A_249 : memref<2600960xf32, #tpu.memory_space<hbm>>) target(%dma_start3A_244 : memref<128xf32, #tpu.memory_space<vmem>>) offsets(%dma_start3A_247 : memref<128xi32, #tpu.memory_space<vmem>>) semaphore(%arg10 : memref<!tpu.dma_semaphore, #tpu.memory_space<semaphore_mem>>)
    %dma_start3A_250 = arith.constant 31 : i32
    %dma_start3A_251 = arith.constant 3968 : i32
    %dma_start3A_252 = tpu.memref_slice %arg7[%dma_start3A_251] : memref<13312xf32, #tpu.memory_space<vmem>> -> memref<128xf32, #tpu.memory_space<vmem>>
    %dma_start3A_253 = arith.constant 0 : i32
    %dma_start3A_254 = tpu.memref_slice %arg6[%dma_start3A_250, %dma_start3A_253] : memref<104x128xi32, #tpu.memory_space<vmem>> -> memref<1x128xi32, #tpu.memory_space<vmem>>
    %dma_start3A_255 = tpu.memref_squeeze %dma_start3A_254 : memref<1x128xi32, #tpu.memory_space<vmem>> -> memref<128xi32, #tpu.memory_space<vmem>>
    %dma_start3A_256 = arith.constant 0 : i32
    %dma_start3A_257 = tpu.memref_slice %arg3[%dma_start3A_256] : memref<2600960xf32, #tpu.memory_space<hbm>> -> memref<2600960xf32, #tpu.memory_space<hbm>>
    tpu.enqueue_indirect_dma source(%dma_start3A_257 : memref<2600960xf32, #tpu.memory_space<hbm>>) target(%dma_start3A_252 : memref<128xf32, #tpu.memory_space<vmem>>) offsets(%dma_start3A_255 : memref<128xi32, #tpu.memory_space<vmem>>) semaphore(%arg10 : memref<!tpu.dma_semaphore, #tpu.memory_space<semaphore_mem>>)
    %dma_start3A_258 = arith.constant 32 : i32
    %dma_start3A_259 = arith.constant 4096 : i32
    %dma_start3A_260 = tpu.memref_slice %arg7[%dma_start3A_259] : memref<13312xf32, #tpu.memory_space<vmem>> -> memref<128xf32, #tpu.memory_space<vmem>>
    %dma_start3A_261 = arith.constant 0 : i32
    %dma_start3A_262 = tpu.memref_slice %arg6[%dma_start3A_258, %dma_start3A_261] : memref<104x128xi32, #tpu.memory_space<vmem>> -> memref<1x128xi32, #tpu.memory_space<vmem>>
    %dma_start3A_263 = tpu.memref_squeeze %dma_start3A_262 : memref<1x128xi32, #tpu.memory_space<vmem>> -> memref<128xi32, #tpu.memory_space<vmem>>
    %dma_start3A_264 = arith.constant 0 : i32
    %dma_start3A_265 = tpu.memref_slice %arg3[%dma_start3A_264] : memref<2600960xf32, #tpu.memory_space<hbm>> -> memref<2600960xf32, #tpu.memory_space<hbm>>
    tpu.enqueue_indirect_dma source(%dma_start3A_265 : memref<2600960xf32, #tpu.memory_space<hbm>>) target(%dma_start3A_260 : memref<128xf32, #tpu.memory_space<vmem>>) offsets(%dma_start3A_263 : memref<128xi32, #tpu.memory_space<vmem>>) semaphore(%arg10 : memref<!tpu.dma_semaphore, #tpu.memory_space<semaphore_mem>>)
    %dma_start3A_266 = arith.constant 33 : i32
    %dma_start3A_267 = arith.constant 4224 : i32
    %dma_start3A_268 = tpu.memref_slice %arg7[%dma_start3A_267] : memref<13312xf32, #tpu.memory_space<vmem>> -> memref<128xf32, #tpu.memory_space<vmem>>
    %dma_start3A_269 = arith.constant 0 : i32
    %dma_start3A_270 = tpu.memref_slice %arg6[%dma_start3A_266, %dma_start3A_269] : memref<104x128xi32, #tpu.memory_space<vmem>> -> memref<1x128xi32, #tpu.memory_space<vmem>>
    %dma_start3A_271 = tpu.memref_squeeze %dma_start3A_270 : memref<1x128xi32, #tpu.memory_space<vmem>> -> memref<128xi32, #tpu.memory_space<vmem>>
    %dma_start3A_272 = arith.constant 0 : i32
    %dma_start3A_273 = tpu.memref_slice %arg3[%dma_start3A_272] : memref<2600960xf32, #tpu.memory_space<hbm>> -> memref<2600960xf32, #tpu.memory_space<hbm>>
    tpu.enqueue_indirect_dma source(%dma_start3A_273 : memref<2600960xf32, #tpu.memory_space<hbm>>) target(%dma_start3A_268 : memref<128xf32, #tpu.memory_space<vmem>>) offsets(%dma_start3A_271 : memref<128xi32, #tpu.memory_space<vmem>>) semaphore(%arg10 : memref<!tpu.dma_semaphore, #tpu.memory_space<semaphore_mem>>)
    %dma_start3A_274 = arith.constant 34 : i32
    %dma_start3A_275 = arith.constant 4352 : i32
    %dma_start3A_276 = tpu.memref_slice %arg7[%dma_start3A_275] : memref<13312xf32, #tpu.memory_space<vmem>> -> memref<128xf32, #tpu.memory_space<vmem>>
    %dma_start3A_277 = arith.constant 0 : i32
    %dma_start3A_278 = tpu.memref_slice %arg6[%dma_start3A_274, %dma_start3A_277] : memref<104x128xi32, #tpu.memory_space<vmem>> -> memref<1x128xi32, #tpu.memory_space<vmem>>
    %dma_start3A_279 = tpu.memref_squeeze %dma_start3A_278 : memref<1x128xi32, #tpu.memory_space<vmem>> -> memref<128xi32, #tpu.memory_space<vmem>>
    %dma_start3A_280 = arith.constant 0 : i32
    %dma_start3A_281 = tpu.memref_slice %arg3[%dma_start3A_280] : memref<2600960xf32, #tpu.memory_space<hbm>> -> memref<2600960xf32, #tpu.memory_space<hbm>>
    tpu.enqueue_indirect_dma source(%dma_start3A_281 : memref<2600960xf32, #tpu.memory_space<hbm>>) target(%dma_start3A_276 : memref<128xf32, #tpu.memory_space<vmem>>) offsets(%dma_start3A_279 : memref<128xi32, #tpu.memory_space<vmem>>) semaphore(%arg10 : memref<!tpu.dma_semaphore, #tpu.memory_space<semaphore_mem>>)
    %dma_start3A_282 = arith.constant 35 : i32
    %dma_start3A_283 = arith.constant 4480 : i32
    %dma_start3A_284 = tpu.memref_slice %arg7[%dma_start3A_283] : memref<13312xf32, #tpu.memory_space<vmem>> -> memref<128xf32, #tpu.memory_space<vmem>>
    %dma_start3A_285 = arith.constant 0 : i32
    %dma_start3A_286 = tpu.memref_slice %arg6[%dma_start3A_282, %dma_start3A_285] : memref<104x128xi32, #tpu.memory_space<vmem>> -> memref<1x128xi32, #tpu.memory_space<vmem>>
    %dma_start3A_287 = tpu.memref_squeeze %dma_start3A_286 : memref<1x128xi32, #tpu.memory_space<vmem>> -> memref<128xi32, #tpu.memory_space<vmem>>
    %dma_start3A_288 = arith.constant 0 : i32
    %dma_start3A_289 = tpu.memref_slice %arg3[%dma_start3A_288] : memref<2600960xf32, #tpu.memory_space<hbm>> -> memref<2600960xf32, #tpu.memory_space<hbm>>
    tpu.enqueue_indirect_dma source(%dma_start3A_289 : memref<2600960xf32, #tpu.memory_space<hbm>>) target(%dma_start3A_284 : memref<128xf32, #tpu.memory_space<vmem>>) offsets(%dma_start3A_287 : memref<128xi32, #tpu.memory_space<vmem>>) semaphore(%arg10 : memref<!tpu.dma_semaphore, #tpu.memory_space<semaphore_mem>>)
    %dma_start3A_290 = arith.constant 36 : i32
    %dma_start3A_291 = arith.constant 4608 : i32
    %dma_start3A_292 = tpu.memref_slice %arg7[%dma_start3A_291] : memref<13312xf32, #tpu.memory_space<vmem>> -> memref<128xf32, #tpu.memory_space<vmem>>
    %dma_start3A_293 = arith.constant 0 : i32
    %dma_start3A_294 = tpu.memref_slice %arg6[%dma_start3A_290, %dma_start3A_293] : memref<104x128xi32, #tpu.memory_space<vmem>> -> memref<1x128xi32, #tpu.memory_space<vmem>>
    %dma_start3A_295 = tpu.memref_squeeze %dma_start3A_294 : memref<1x128xi32, #tpu.memory_space<vmem>> -> memref<128xi32, #tpu.memory_space<vmem>>
    %dma_start3A_296 = arith.constant 0 : i32
    %dma_start3A_297 = tpu.memref_slice %arg3[%dma_start3A_296] : memref<2600960xf32, #tpu.memory_space<hbm>> -> memref<2600960xf32, #tpu.memory_space<hbm>>
    tpu.enqueue_indirect_dma source(%dma_start3A_297 : memref<2600960xf32, #tpu.memory_space<hbm>>) target(%dma_start3A_292 : memref<128xf32, #tpu.memory_space<vmem>>) offsets(%dma_start3A_295 : memref<128xi32, #tpu.memory_space<vmem>>) semaphore(%arg10 : memref<!tpu.dma_semaphore, #tpu.memory_space<semaphore_mem>>)
    %dma_start3A_298 = arith.constant 37 : i32
    %dma_start3A_299 = arith.constant 4736 : i32
    %dma_start3A_300 = tpu.memref_slice %arg7[%dma_start3A_299] : memref<13312xf32, #tpu.memory_space<vmem>> -> memref<128xf32, #tpu.memory_space<vmem>>
    %dma_start3A_301 = arith.constant 0 : i32
    %dma_start3A_302 = tpu.memref_slice %arg6[%dma_start3A_298, %dma_start3A_301] : memref<104x128xi32, #tpu.memory_space<vmem>> -> memref<1x128xi32, #tpu.memory_space<vmem>>
    %dma_start3A_303 = tpu.memref_squeeze %dma_start3A_302 : memref<1x128xi32, #tpu.memory_space<vmem>> -> memref<128xi32, #tpu.memory_space<vmem>>
    %dma_start3A_304 = arith.constant 0 : i32
    %dma_start3A_305 = tpu.memref_slice %arg3[%dma_start3A_304] : memref<2600960xf32, #tpu.memory_space<hbm>> -> memref<2600960xf32, #tpu.memory_space<hbm>>
    tpu.enqueue_indirect_dma source(%dma_start3A_305 : memref<2600960xf32, #tpu.memory_space<hbm>>) target(%dma_start3A_300 : memref<128xf32, #tpu.memory_space<vmem>>) offsets(%dma_start3A_303 : memref<128xi32, #tpu.memory_space<vmem>>) semaphore(%arg10 : memref<!tpu.dma_semaphore, #tpu.memory_space<semaphore_mem>>)
    %dma_start3A_306 = arith.constant 38 : i32
    %dma_start3A_307 = arith.constant 4864 : i32
    %dma_start3A_308 = tpu.memref_slice %arg7[%dma_start3A_307] : memref<13312xf32, #tpu.memory_space<vmem>> -> memref<128xf32, #tpu.memory_space<vmem>>
    %dma_start3A_309 = arith.constant 0 : i32
    %dma_start3A_310 = tpu.memref_slice %arg6[%dma_start3A_306, %dma_start3A_309] : memref<104x128xi32, #tpu.memory_space<vmem>> -> memref<1x128xi32, #tpu.memory_space<vmem>>
    %dma_start3A_311 = tpu.memref_squeeze %dma_start3A_310 : memref<1x128xi32, #tpu.memory_space<vmem>> -> memref<128xi32, #tpu.memory_space<vmem>>
    %dma_start3A_312 = arith.constant 0 : i32
    %dma_start3A_313 = tpu.memref_slice %arg3[%dma_start3A_312] : memref<2600960xf32, #tpu.memory_space<hbm>> -> memref<2600960xf32, #tpu.memory_space<hbm>>
    tpu.enqueue_indirect_dma source(%dma_start3A_313 : memref<2600960xf32, #tpu.memory_space<hbm>>) target(%dma_start3A_308 : memref<128xf32, #tpu.memory_space<vmem>>) offsets(%dma_start3A_311 : memref<128xi32, #tpu.memory_space<vmem>>) semaphore(%arg10 : memref<!tpu.dma_semaphore, #tpu.memory_space<semaphore_mem>>)
    %dma_start3A_314 = arith.constant 39 : i32
    %dma_start3A_315 = arith.constant 4992 : i32
    %dma_start3A_316 = tpu.memref_slice %arg7[%dma_start3A_315] : memref<13312xf32, #tpu.memory_space<vmem>> -> memref<128xf32, #tpu.memory_space<vmem>>
    %dma_start3A_317 = arith.constant 0 : i32
    %dma_start3A_318 = tpu.memref_slice %arg6[%dma_start3A_314, %dma_start3A_317] : memref<104x128xi32, #tpu.memory_space<vmem>> -> memref<1x128xi32, #tpu.memory_space<vmem>>
    %dma_start3A_319 = tpu.memref_squeeze %dma_start3A_318 : memref<1x128xi32, #tpu.memory_space<vmem>> -> memref<128xi32, #tpu.memory_space<vmem>>
    %dma_start3A_320 = arith.constant 0 : i32
    %dma_start3A_321 = tpu.memref_slice %arg3[%dma_start3A_320] : memref<2600960xf32, #tpu.memory_space<hbm>> -> memref<2600960xf32, #tpu.memory_space<hbm>>
    tpu.enqueue_indirect_dma source(%dma_start3A_321 : memref<2600960xf32, #tpu.memory_space<hbm>>) target(%dma_start3A_316 : memref<128xf32, #tpu.memory_space<vmem>>) offsets(%dma_start3A_319 : memref<128xi32, #tpu.memory_space<vmem>>) semaphore(%arg10 : memref<!tpu.dma_semaphore, #tpu.memory_space<semaphore_mem>>)
    %dma_start3A_322 = arith.constant 40 : i32
    %dma_start3A_323 = arith.constant 5120 : i32
    %dma_start3A_324 = tpu.memref_slice %arg7[%dma_start3A_323] : memref<13312xf32, #tpu.memory_space<vmem>> -> memref<128xf32, #tpu.memory_space<vmem>>
    %dma_start3A_325 = arith.constant 0 : i32
    %dma_start3A_326 = tpu.memref_slice %arg6[%dma_start3A_322, %dma_start3A_325] : memref<104x128xi32, #tpu.memory_space<vmem>> -> memref<1x128xi32, #tpu.memory_space<vmem>>
    %dma_start3A_327 = tpu.memref_squeeze %dma_start3A_326 : memref<1x128xi32, #tpu.memory_space<vmem>> -> memref<128xi32, #tpu.memory_space<vmem>>
    %dma_start3A_328 = arith.constant 0 : i32
    %dma_start3A_329 = tpu.memref_slice %arg3[%dma_start3A_328] : memref<2600960xf32, #tpu.memory_space<hbm>> -> memref<2600960xf32, #tpu.memory_space<hbm>>
    tpu.enqueue_indirect_dma source(%dma_start3A_329 : memref<2600960xf32, #tpu.memory_space<hbm>>) target(%dma_start3A_324 : memref<128xf32, #tpu.memory_space<vmem>>) offsets(%dma_start3A_327 : memref<128xi32, #tpu.memory_space<vmem>>) semaphore(%arg10 : memref<!tpu.dma_semaphore, #tpu.memory_space<semaphore_mem>>)
    %dma_start3A_330 = arith.constant 41 : i32
    %dma_start3A_331 = arith.constant 5248 : i32
    %dma_start3A_332 = tpu.memref_slice %arg7[%dma_start3A_331] : memref<13312xf32, #tpu.memory_space<vmem>> -> memref<128xf32, #tpu.memory_space<vmem>>
    %dma_start3A_333 = arith.constant 0 : i32
    %dma_start3A_334 = tpu.memref_slice %arg6[%dma_start3A_330, %dma_start3A_333] : memref<104x128xi32, #tpu.memory_space<vmem>> -> memref<1x128xi32, #tpu.memory_space<vmem>>
    %dma_start3A_335 = tpu.memref_squeeze %dma_start3A_334 : memref<1x128xi32, #tpu.memory_space<vmem>> -> memref<128xi32, #tpu.memory_space<vmem>>
    %dma_start3A_336 = arith.constant 0 : i32
    %dma_start3A_337 = tpu.memref_slice %arg3[%dma_start3A_336] : memref<2600960xf32, #tpu.memory_space<hbm>> -> memref<2600960xf32, #tpu.memory_space<hbm>>
    tpu.enqueue_indirect_dma source(%dma_start3A_337 : memref<2600960xf32, #tpu.memory_space<hbm>>) target(%dma_start3A_332 : memref<128xf32, #tpu.memory_space<vmem>>) offsets(%dma_start3A_335 : memref<128xi32, #tpu.memory_space<vmem>>) semaphore(%arg10 : memref<!tpu.dma_semaphore, #tpu.memory_space<semaphore_mem>>)
    %dma_start3A_338 = arith.constant 42 : i32
    %dma_start3A_339 = arith.constant 5376 : i32
    %dma_start3A_340 = tpu.memref_slice %arg7[%dma_start3A_339] : memref<13312xf32, #tpu.memory_space<vmem>> -> memref<128xf32, #tpu.memory_space<vmem>>
    %dma_start3A_341 = arith.constant 0 : i32
    %dma_start3A_342 = tpu.memref_slice %arg6[%dma_start3A_338, %dma_start3A_341] : memref<104x128xi32, #tpu.memory_space<vmem>> -> memref<1x128xi32, #tpu.memory_space<vmem>>
    %dma_start3A_343 = tpu.memref_squeeze %dma_start3A_342 : memref<1x128xi32, #tpu.memory_space<vmem>> -> memref<128xi32, #tpu.memory_space<vmem>>
    %dma_start3A_344 = arith.constant 0 : i32
    %dma_start3A_345 = tpu.memref_slice %arg3[%dma_start3A_344] : memref<2600960xf32, #tpu.memory_space<hbm>> -> memref<2600960xf32, #tpu.memory_space<hbm>>
    tpu.enqueue_indirect_dma source(%dma_start3A_345 : memref<2600960xf32, #tpu.memory_space<hbm>>) target(%dma_start3A_340 : memref<128xf32, #tpu.memory_space<vmem>>) offsets(%dma_start3A_343 : memref<128xi32, #tpu.memory_space<vmem>>) semaphore(%arg10 : memref<!tpu.dma_semaphore, #tpu.memory_space<semaphore_mem>>)
    %dma_start3A_346 = arith.constant 43 : i32
    %dma_start3A_347 = arith.constant 5504 : i32
    %dma_start3A_348 = tpu.memref_slice %arg7[%dma_start3A_347] : memref<13312xf32, #tpu.memory_space<vmem>> -> memref<128xf32, #tpu.memory_space<vmem>>
    %dma_start3A_349 = arith.constant 0 : i32
    %dma_start3A_350 = tpu.memref_slice %arg6[%dma_start3A_346, %dma_start3A_349] : memref<104x128xi32, #tpu.memory_space<vmem>> -> memref<1x128xi32, #tpu.memory_space<vmem>>
    %dma_start3A_351 = tpu.memref_squeeze %dma_start3A_350 : memref<1x128xi32, #tpu.memory_space<vmem>> -> memref<128xi32, #tpu.memory_space<vmem>>
    %dma_start3A_352 = arith.constant 0 : i32
    %dma_start3A_353 = tpu.memref_slice %arg3[%dma_start3A_352] : memref<2600960xf32, #tpu.memory_space<hbm>> -> memref<2600960xf32, #tpu.memory_space<hbm>>
    tpu.enqueue_indirect_dma source(%dma_start3A_353 : memref<2600960xf32, #tpu.memory_space<hbm>>) target(%dma_start3A_348 : memref<128xf32, #tpu.memory_space<vmem>>) offsets(%dma_start3A_351 : memref<128xi32, #tpu.memory_space<vmem>>) semaphore(%arg10 : memref<!tpu.dma_semaphore, #tpu.memory_space<semaphore_mem>>)
    %dma_start3A_354 = arith.constant 44 : i32
    %dma_start3A_355 = arith.constant 5632 : i32
    %dma_start3A_356 = tpu.memref_slice %arg7[%dma_start3A_355] : memref<13312xf32, #tpu.memory_space<vmem>> -> memref<128xf32, #tpu.memory_space<vmem>>
    %dma_start3A_357 = arith.constant 0 : i32
    %dma_start3A_358 = tpu.memref_slice %arg6[%dma_start3A_354, %dma_start3A_357] : memref<104x128xi32, #tpu.memory_space<vmem>> -> memref<1x128xi32, #tpu.memory_space<vmem>>
    %dma_start3A_359 = tpu.memref_squeeze %dma_start3A_358 : memref<1x128xi32, #tpu.memory_space<vmem>> -> memref<128xi32, #tpu.memory_space<vmem>>
    %dma_start3A_360 = arith.constant 0 : i32
    %dma_start3A_361 = tpu.memref_slice %arg3[%dma_start3A_360] : memref<2600960xf32, #tpu.memory_space<hbm>> -> memref<2600960xf32, #tpu.memory_space<hbm>>
    tpu.enqueue_indirect_dma source(%dma_start3A_361 : memref<2600960xf32, #tpu.memory_space<hbm>>) target(%dma_start3A_356 : memref<128xf32, #tpu.memory_space<vmem>>) offsets(%dma_start3A_359 : memref<128xi32, #tpu.memory_space<vmem>>) semaphore(%arg10 : memref<!tpu.dma_semaphore, #tpu.memory_space<semaphore_mem>>)
    %dma_start3A_362 = arith.constant 45 : i32
    %dma_start3A_363 = arith.constant 5760 : i32
    %dma_start3A_364 = tpu.memref_slice %arg7[%dma_start3A_363] : memref<13312xf32, #tpu.memory_space<vmem>> -> memref<128xf32, #tpu.memory_space<vmem>>
    %dma_start3A_365 = arith.constant 0 : i32
    %dma_start3A_366 = tpu.memref_slice %arg6[%dma_start3A_362, %dma_start3A_365] : memref<104x128xi32, #tpu.memory_space<vmem>> -> memref<1x128xi32, #tpu.memory_space<vmem>>
    %dma_start3A_367 = tpu.memref_squeeze %dma_start3A_366 : memref<1x128xi32, #tpu.memory_space<vmem>> -> memref<128xi32, #tpu.memory_space<vmem>>
    %dma_start3A_368 = arith.constant 0 : i32
    %dma_start3A_369 = tpu.memref_slice %arg3[%dma_start3A_368] : memref<2600960xf32, #tpu.memory_space<hbm>> -> memref<2600960xf32, #tpu.memory_space<hbm>>
    tpu.enqueue_indirect_dma source(%dma_start3A_369 : memref<2600960xf32, #tpu.memory_space<hbm>>) target(%dma_start3A_364 : memref<128xf32, #tpu.memory_space<vmem>>) offsets(%dma_start3A_367 : memref<128xi32, #tpu.memory_space<vmem>>) semaphore(%arg10 : memref<!tpu.dma_semaphore, #tpu.memory_space<semaphore_mem>>)
    %dma_start3A_370 = arith.constant 46 : i32
    %dma_start3A_371 = arith.constant 5888 : i32
    %dma_start3A_372 = tpu.memref_slice %arg7[%dma_start3A_371] : memref<13312xf32, #tpu.memory_space<vmem>> -> memref<128xf32, #tpu.memory_space<vmem>>
    %dma_start3A_373 = arith.constant 0 : i32
    %dma_start3A_374 = tpu.memref_slice %arg6[%dma_start3A_370, %dma_start3A_373] : memref<104x128xi32, #tpu.memory_space<vmem>> -> memref<1x128xi32, #tpu.memory_space<vmem>>
    %dma_start3A_375 = tpu.memref_squeeze %dma_start3A_374 : memref<1x128xi32, #tpu.memory_space<vmem>> -> memref<128xi32, #tpu.memory_space<vmem>>
    %dma_start3A_376 = arith.constant 0 : i32
    %dma_start3A_377 = tpu.memref_slice %arg3[%dma_start3A_376] : memref<2600960xf32, #tpu.memory_space<hbm>> -> memref<2600960xf32, #tpu.memory_space<hbm>>
    tpu.enqueue_indirect_dma source(%dma_start3A_377 : memref<2600960xf32, #tpu.memory_space<hbm>>) target(%dma_start3A_372 : memref<128xf32, #tpu.memory_space<vmem>>) offsets(%dma_start3A_375 : memref<128xi32, #tpu.memory_space<vmem>>) semaphore(%arg10 : memref<!tpu.dma_semaphore, #tpu.memory_space<semaphore_mem>>)
    %dma_start3A_378 = arith.constant 47 : i32
    %dma_start3A_379 = arith.constant 6016 : i32
    %dma_start3A_380 = tpu.memref_slice %arg7[%dma_start3A_379] : memref<13312xf32, #tpu.memory_space<vmem>> -> memref<128xf32, #tpu.memory_space<vmem>>
    %dma_start3A_381 = arith.constant 0 : i32
    %dma_start3A_382 = tpu.memref_slice %arg6[%dma_start3A_378, %dma_start3A_381] : memref<104x128xi32, #tpu.memory_space<vmem>> -> memref<1x128xi32, #tpu.memory_space<vmem>>
    %dma_start3A_383 = tpu.memref_squeeze %dma_start3A_382 : memref<1x128xi32, #tpu.memory_space<vmem>> -> memref<128xi32, #tpu.memory_space<vmem>>
    %dma_start3A_384 = arith.constant 0 : i32
    %dma_start3A_385 = tpu.memref_slice %arg3[%dma_start3A_384] : memref<2600960xf32, #tpu.memory_space<hbm>> -> memref<2600960xf32, #tpu.memory_space<hbm>>
    tpu.enqueue_indirect_dma source(%dma_start3A_385 : memref<2600960xf32, #tpu.memory_space<hbm>>) target(%dma_start3A_380 : memref<128xf32, #tpu.memory_space<vmem>>) offsets(%dma_start3A_383 : memref<128xi32, #tpu.memory_space<vmem>>) semaphore(%arg10 : memref<!tpu.dma_semaphore, #tpu.memory_space<semaphore_mem>>)
    %scan3A = arith.constant 0 : i32
    %scan3A_386 = arith.constant 0 : i32
    %scan3A_387 = arith.constant 104 : i32
    %scan3A_388 = arith.addi %scan3A_386, %scan3A_387 : i32
    %scan3A_389 = arith.constant 1 : i32
    %scan3A_390 = scf.for %scan3A_403 = %scan3A_386 to %scan3A_388 step %scan3A_389 iter_args(%scan3A_404 = %scan3A) -> (i32)  : i32 {
      %add3A_405 = arith.constant 48 : i32
      %add3A_406 = arith.addi %scan3A_403, %add3A_405 : i32
      %lt3A = arith.constant 104 : i32
      %lt3A_407 = arith.cmpi slt, %add3A_406, %lt3A : i32
      %convert_element_type3A = arith.extui %lt3A_407 : i1 to i32
      %cond3A = arith.constant 0 : i32
      %cond3A_408 = arith.cmpi ne, %convert_element_type3A, %cond3A : i32
      scf.if %cond3A_408 {
        %add3A_417 = arith.constant 48 : i32
        %add3A_418 = arith.addi %scan3A_403, %add3A_417 : i32
        %mul3A_419 = arith.constant 128 : i32
        %mul3A_420 = arith.muli %add3A_418, %mul3A_419 : i32
        %dma_start3A_421 = tpu.memref_slice %arg7[%mul3A_420] : memref<13312xf32, #tpu.memory_space<vmem>> -> memref<128xf32, #tpu.memory_space<vmem>>
        %dma_start3A_422 = arith.constant 0 : i32
        %dma_start3A_423 = tpu.memref_slice %arg6[%add3A_418, %dma_start3A_422] : memref<104x128xi32, #tpu.memory_space<vmem>> -> memref<1x128xi32, #tpu.memory_space<vmem>>
        %dma_start3A_424 = tpu.memref_squeeze %dma_start3A_423 : memref<1x128xi32, #tpu.memory_space<vmem>> -> memref<128xi32, #tpu.memory_space<vmem>>
        %dma_start3A_425 = arith.constant 0 : i32
        %dma_start3A_426 = tpu.memref_slice %arg3[%dma_start3A_425] : memref<2600960xf32, #tpu.memory_space<hbm>> -> memref<2600960xf32, #tpu.memory_space<hbm>>
        tpu.enqueue_indirect_dma source(%dma_start3A_426 : memref<2600960xf32, #tpu.memory_space<hbm>>) target(%dma_start3A_421 : memref<128xf32, #tpu.memory_space<vmem>>) offsets(%dma_start3A_424 : memref<128xi32, #tpu.memory_space<vmem>>) semaphore(%arg10 : memref<!tpu.dma_semaphore, #tpu.memory_space<semaphore_mem>>)
      } else {
      }
      %mul3A_409 = arith.constant 128 : i32
      %mul3A_410 = arith.muli %scan3A_403, %mul3A_409 : i32
      %dma_wait3A = tpu.memref_slice %arg7[%mul3A_410] : memref<13312xf32, #tpu.memory_space<vmem>> -> memref<128xf32, #tpu.memory_space<vmem>>
      %dma_wait3A_411 = arith.constant 0 : i32
      %dma_wait3A_412 = tpu.memref_slice %arg6[%scan3A_403, %dma_wait3A_411] : memref<104x128xi32, #tpu.memory_space<vmem>> -> memref<1x128xi32, #tpu.memory_space<vmem>>
      %dma_wait3A_413 = tpu.memref_squeeze %dma_wait3A_412 : memref<1x128xi32, #tpu.memory_space<vmem>> -> memref<128xi32, #tpu.memory_space<vmem>>
      %dma_wait3A_414 = arith.constant 0 : i32
      %dma_wait3A_415 = tpu.memref_slice %arg3[%dma_wait3A_414] : memref<2600960xf32, #tpu.memory_space<hbm>> -> memref<2600960xf32, #tpu.memory_space<hbm>>
      tpu.wait_indirect_dma semaphore(%arg10 : memref<!tpu.dma_semaphore, #tpu.memory_space<semaphore_mem>>) src(%dma_wait3A_415 : memref<2600960xf32, #tpu.memory_space<hbm>>) dst(%dma_wait3A : memref<128xf32, #tpu.memory_space<vmem>>)
      %scan3A_416 = arith.constant 0 : i32
      scf.yield %scan3A_416 : i32
    }
    %scan3A_391 = arith.constant 104 : i32
    %get3A = arith.constant 0 : index
    %get3A_392 = tpu.vector_load %arg9[%get3A] {strides = array<i32>} : memref<16xf32, #tpu.memory_space<vmem>>, vector<16xf32>,
    %get3A_393 = vector.shape_cast %get3A_392 : vector<16xf32> to vector<16xf32>
    %scan3A_394 = arith.constant 0 : i32
    %scan3A_395 = arith.constant 0 : i32
    %scan3A_396 = arith.constant 32 : i32
    %scan3A_397 = arith.addi %scan3A_395, %scan3A_396 : i32
    %scan3A_398 = arith.constant 1 : i32
    %scan3A_399 = scf.for %scan3A_403 = %scan3A_395 to %scan3A_397 step %scan3A_398 iter_args(%scan3A_404 = %scan3A_394) -> (i32)  : i32 {
      %mul3A_405 = arith.constant 16 : i32
      %mul3A_406 = arith.muli %scan3A_403, %mul3A_405 : i32
      %add3A_407 = arith.constant 0 : i32
      %add3A_408 = arith.addi %add3A_407, %mul3A_406 : i32
      %get3A_409 = arith.index_cast %add3A_408 : i32 to index
      %get3A_410 = tpu.vector_load %arg7[%get3A_409] {strides = array<i32>} : memref<13312xf32, #tpu.memory_space<vmem>>, vector<16xf32>,
      %get3A_411 = vector.shape_cast %get3A_410 : vector<16xf32> to vector<16xf32>
      %add3A_412 = arith.addf %get3A_393, %get3A_411 : vector<16xf32>
      %add3A_413 = arith.constant 512 : i32
      %add3A_414 = arith.addi %add3A_413, %mul3A_406 : i32
      %get3A_415 = arith.index_cast %add3A_414 : i32 to index
      %get3A_416 = tpu.vector_load %arg7[%get3A_415] {strides = array<i32>} : memref<13312xf32, #tpu.memory_space<vmem>>, vector<16xf32>,
      %get3A_417 = vector.shape_cast %get3A_416 : vector<16xf32> to vector<16xf32>
      %add3A_418 = arith.addf %add3A_412, %get3A_417 : vector<16xf32>
      %add3A_419 = arith.constant 1024 : i32
      %add3A_420 = arith.addi %add3A_419, %mul3A_406 : i32
      %get3A_421 = arith.index_cast %add3A_420 : i32 to index
      %get3A_422 = tpu.vector_load %arg7[%get3A_421] {strides = array<i32>} : memref<13312xf32, #tpu.memory_space<vmem>>, vector<16xf32>,
      %get3A_423 = vector.shape_cast %get3A_422 : vector<16xf32> to vector<16xf32>
      %add3A_424 = arith.addf %add3A_418, %get3A_423 : vector<16xf32>
      %add3A_425 = arith.constant 1536 : i32
      %add3A_426 = arith.addi %add3A_425, %mul3A_406 : i32
      %get3A_427 = arith.index_cast %add3A_426 : i32 to index
      %get3A_428 = tpu.vector_load %arg7[%get3A_427] {strides = array<i32>} : memref<13312xf32, #tpu.memory_space<vmem>>, vector<16xf32>,
      %get3A_429 = vector.shape_cast %get3A_428 : vector<16xf32> to vector<16xf32>
      %add3A_430 = arith.addf %add3A_424, %get3A_429 : vector<16xf32>
      %add3A_431 = arith.constant 2048 : i32
      %add3A_432 = arith.addi %add3A_431, %mul3A_406 : i32
      %get3A_433 = arith.index_cast %add3A_432 : i32 to index
      %get3A_434 = tpu.vector_load %arg7[%get3A_433] {strides = array<i32>} : memref<13312xf32, #tpu.memory_space<vmem>>, vector<16xf32>,
      %get3A_435 = vector.shape_cast %get3A_434 : vector<16xf32> to vector<16xf32>
      %add3A_436 = arith.addf %add3A_430, %get3A_435 : vector<16xf32>
      %add3A_437 = arith.constant 2560 : i32
      %add3A_438 = arith.addi %add3A_437, %mul3A_406 : i32
      %get3A_439 = arith.index_cast %add3A_438 : i32 to index
      %get3A_440 = tpu.vector_load %arg7[%get3A_439] {strides = array<i32>} : memref<13312xf32, #tpu.memory_space<vmem>>, vector<16xf32>,
      %get3A_441 = vector.shape_cast %get3A_440 : vector<16xf32> to vector<16xf32>
      %add3A_442 = arith.addf %add3A_436, %get3A_441 : vector<16xf32>
      %add3A_443 = arith.constant 3072 : i32
      %add3A_444 = arith.addi %add3A_443, %mul3A_406 : i32
      %get3A_445 = arith.index_cast %add3A_444 : i32 to index
      %get3A_446 = tpu.vector_load %arg7[%get3A_445] {strides = array<i32>} : memref<13312xf32, #tpu.memory_space<vmem>>, vector<16xf32>,
      %get3A_447 = vector.shape_cast %get3A_446 : vector<16xf32> to vector<16xf32>
      %add3A_448 = arith.addf %add3A_442, %get3A_447 : vector<16xf32>
      %add3A_449 = arith.constant 3584 : i32
      %add3A_450 = arith.addi %add3A_449, %mul3A_406 : i32
      %get3A_451 = arith.index_cast %add3A_450 : i32 to index
      %get3A_452 = tpu.vector_load %arg7[%get3A_451] {strides = array<i32>} : memref<13312xf32, #tpu.memory_space<vmem>>, vector<16xf32>,
      %get3A_453 = vector.shape_cast %get3A_452 : vector<16xf32> to vector<16xf32>
      %add3A_454 = arith.addf %add3A_448, %get3A_453 : vector<16xf32>
      %add3A_455 = arith.constant 4096 : i32
      %add3A_456 = arith.addi %add3A_455, %mul3A_406 : i32
      %get3A_457 = arith.index_cast %add3A_456 : i32 to index
      %get3A_458 = tpu.vector_load %arg7[%get3A_457] {strides = array<i32>} : memref<13312xf32, #tpu.memory_space<vmem>>, vector<16xf32>,
      %get3A_459 = vector.shape_cast %get3A_458 : vector<16xf32> to vector<16xf32>
      %add3A_460 = arith.addf %add3A_454, %get3A_459 : vector<16xf32>
      %add3A_461 = arith.constant 4608 : i32
      %add3A_462 = arith.addi %add3A_461, %mul3A_406 : i32
      %get3A_463 = arith.index_cast %add3A_462 : i32 to index
      %get3A_464 = tpu.vector_load %arg7[%get3A_463] {strides = array<i32>} : memref<13312xf32, #tpu.memory_space<vmem>>, vector<16xf32>,
      %get3A_465 = vector.shape_cast %get3A_464 : vector<16xf32> to vector<16xf32>
      %add3A_466 = arith.addf %add3A_460, %get3A_465 : vector<16xf32>
      %add3A_467 = arith.constant 5120 : i32
      %add3A_468 = arith.addi %add3A_467, %mul3A_406 : i32
      %get3A_469 = arith.index_cast %add3A_468 : i32 to index
      %get3A_470 = tpu.vector_load %arg7[%get3A_469] {strides = array<i32>} : memref<13312xf32, #tpu.memory_space<vmem>>, vector<16xf32>,
      %get3A_471 = vector.shape_cast %get3A_470 : vector<16xf32> to vector<16xf32>
      %add3A_472 = arith.addf %add3A_466, %get3A_471 : vector<16xf32>
      %add3A_473 = arith.constant 5632 : i32
      %add3A_474 = arith.addi %add3A_473, %mul3A_406 : i32
      %get3A_475 = arith.index_cast %add3A_474 : i32 to index
      %get3A_476 = tpu.vector_load %arg7[%get3A_475] {strides = array<i32>} : memref<13312xf32, #tpu.memory_space<vmem>>, vector<16xf32>,
      %get3A_477 = vector.shape_cast %get3A_476 : vector<16xf32> to vector<16xf32>
      %add3A_478 = arith.addf %add3A_472, %get3A_477 : vector<16xf32>
      %add3A_479 = arith.constant 6144 : i32
      %add3A_480 = arith.addi %add3A_479, %mul3A_406 : i32
      %get3A_481 = arith.index_cast %add3A_480 : i32 to index
      %get3A_482 = tpu.vector_load %arg7[%get3A_481] {strides = array<i32>} : memref<13312xf32, #tpu.memory_space<vmem>>, vector<16xf32>,
      %get3A_483 = vector.shape_cast %get3A_482 : vector<16xf32> to vector<16xf32>
      %add3A_484 = arith.addf %add3A_478, %get3A_483 : vector<16xf32>
      %add3A_485 = arith.constant 6656 : i32
      %add3A_486 = arith.addi %add3A_485, %mul3A_406 : i32
      %get3A_487 = arith.index_cast %add3A_486 : i32 to index
      %get3A_488 = tpu.vector_load %arg7[%get3A_487] {strides = array<i32>} : memref<13312xf32, #tpu.memory_space<vmem>>, vector<16xf32>,
      %get3A_489 = vector.shape_cast %get3A_488 : vector<16xf32> to vector<16xf32>
      %add3A_490 = arith.addf %add3A_484, %get3A_489 : vector<16xf32>
      %add3A_491 = arith.constant 7168 : i32
      %add3A_492 = arith.addi %add3A_491, %mul3A_406 : i32
      %get3A_493 = arith.index_cast %add3A_492 : i32 to index
      %get3A_494 = tpu.vector_load %arg7[%get3A_493] {strides = array<i32>} : memref<13312xf32, #tpu.memory_space<vmem>>, vector<16xf32>,
      %get3A_495 = vector.shape_cast %get3A_494 : vector<16xf32> to vector<16xf32>
      %add3A_496 = arith.addf %add3A_490, %get3A_495 : vector<16xf32>
      %add3A_497 = arith.constant 7680 : i32
      %add3A_498 = arith.addi %add3A_497, %mul3A_406 : i32
      %get3A_499 = arith.index_cast %add3A_498 : i32 to index
      %get3A_500 = tpu.vector_load %arg7[%get3A_499] {strides = array<i32>} : memref<13312xf32, #tpu.memory_space<vmem>>, vector<16xf32>,
      %get3A_501 = vector.shape_cast %get3A_500 : vector<16xf32> to vector<16xf32>
      %add3A_502 = arith.addf %add3A_496, %get3A_501 : vector<16xf32>
      %add3A_503 = arith.constant 8192 : i32
      %add3A_504 = arith.addi %add3A_503, %mul3A_406 : i32
      %get3A_505 = arith.index_cast %add3A_504 : i32 to index
      %get3A_506 = tpu.vector_load %arg7[%get3A_505] {strides = array<i32>} : memref<13312xf32, #tpu.memory_space<vmem>>, vector<16xf32>,
      %get3A_507 = vector.shape_cast %get3A_506 : vector<16xf32> to vector<16xf32>
      %add3A_508 = arith.addf %add3A_502, %get3A_507 : vector<16xf32>
      %add3A_509 = arith.constant 8704 : i32
      %add3A_510 = arith.addi %add3A_509, %mul3A_406 : i32
      %get3A_511 = arith.index_cast %add3A_510 : i32 to index
      %get3A_512 = tpu.vector_load %arg7[%get3A_511] {strides = array<i32>} : memref<13312xf32, #tpu.memory_space<vmem>>, vector<16xf32>,
      %get3A_513 = vector.shape_cast %get3A_512 : vector<16xf32> to vector<16xf32>
      %add3A_514 = arith.addf %add3A_508, %get3A_513 : vector<16xf32>
      %add3A_515 = arith.constant 9216 : i32
      %add3A_516 = arith.addi %add3A_515, %mul3A_406 : i32
      %get3A_517 = arith.index_cast %add3A_516 : i32 to index
      %get3A_518 = tpu.vector_load %arg7[%get3A_517] {strides = array<i32>} : memref<13312xf32, #tpu.memory_space<vmem>>, vector<16xf32>,
      %get3A_519 = vector.shape_cast %get3A_518 : vector<16xf32> to vector<16xf32>
      %add3A_520 = arith.addf %add3A_514, %get3A_519 : vector<16xf32>
      %add3A_521 = arith.constant 9728 : i32
      %add3A_522 = arith.addi %add3A_521, %mul3A_406 : i32
      %get3A_523 = arith.index_cast %add3A_522 : i32 to index
      %get3A_524 = tpu.vector_load %arg7[%get3A_523] {strides = array<i32>} : memref<13312xf32, #tpu.memory_space<vmem>>, vector<16xf32>,
      %get3A_525 = vector.shape_cast %get3A_524 : vector<16xf32> to vector<16xf32>
      %add3A_526 = arith.addf %add3A_520, %get3A_525 : vector<16xf32>
      %add3A_527 = arith.constant 10240 : i32
      %add3A_528 = arith.addi %add3A_527, %mul3A_406 : i32
      %get3A_529 = arith.index_cast %add3A_528 : i32 to index
      %get3A_530 = tpu.vector_load %arg7[%get3A_529] {strides = array<i32>} : memref<13312xf32, #tpu.memory_space<vmem>>, vector<16xf32>,
      %get3A_531 = vector.shape_cast %get3A_530 : vector<16xf32> to vector<16xf32>
      %add3A_532 = arith.addf %add3A_526, %get3A_531 : vector<16xf32>
      %add3A_533 = arith.constant 10752 : i32
      %add3A_534 = arith.addi %add3A_533, %mul3A_406 : i32
      %get3A_535 = arith.index_cast %add3A_534 : i32 to index
      %get3A_536 = tpu.vector_load %arg7[%get3A_535] {strides = array<i32>} : memref<13312xf32, #tpu.memory_space<vmem>>, vector<16xf32>,
      %get3A_537 = vector.shape_cast %get3A_536 : vector<16xf32> to vector<16xf32>
      %add3A_538 = arith.addf %add3A_532, %get3A_537 : vector<16xf32>
      %add3A_539 = arith.constant 11264 : i32
      %add3A_540 = arith.addi %add3A_539, %mul3A_406 : i32
      %get3A_541 = arith.index_cast %add3A_540 : i32 to index
      %get3A_542 = tpu.vector_load %arg7[%get3A_541] {strides = array<i32>} : memref<13312xf32, #tpu.memory_space<vmem>>, vector<16xf32>,
      %get3A_543 = vector.shape_cast %get3A_542 : vector<16xf32> to vector<16xf32>
      %add3A_544 = arith.addf %add3A_538, %get3A_543 : vector<16xf32>
      %add3A_545 = arith.constant 11776 : i32
      %add3A_546 = arith.addi %add3A_545, %mul3A_406 : i32
      %get3A_547 = arith.index_cast %add3A_546 : i32 to index
      %get3A_548 = tpu.vector_load %arg7[%get3A_547] {strides = array<i32>} : memref<13312xf32, #tpu.memory_space<vmem>>, vector<16xf32>,
      %get3A_549 = vector.shape_cast %get3A_548 : vector<16xf32> to vector<16xf32>
      %add3A_550 = arith.addf %add3A_544, %get3A_549 : vector<16xf32>
      %add3A_551 = arith.constant 12288 : i32
      %add3A_552 = arith.addi %add3A_551, %mul3A_406 : i32
      %get3A_553 = arith.index_cast %add3A_552 : i32 to index
      %get3A_554 = tpu.vector_load %arg7[%get3A_553] {strides = array<i32>} : memref<13312xf32, #tpu.memory_space<vmem>>, vector<16xf32>,
      %get3A_555 = vector.shape_cast %get3A_554 : vector<16xf32> to vector<16xf32>
      %add3A_556 = arith.addf %add3A_550, %get3A_555 : vector<16xf32>
      %add3A_557 = arith.constant 12800 : i32
      %add3A_558 = arith.addi %add3A_557, %mul3A_406 : i32
      %get3A_559 = arith.index_cast %add3A_558 : i32 to index
      %get3A_560 = tpu.vector_load %arg7[%get3A_559] {strides = array<i32>} : memref<13312xf32, #tpu.memory_space<vmem>>, vector<16xf32>,
      %get3A_561 = vector.shape_cast %get3A_560 : vector<16xf32> to vector<16xf32>
      %add3A_562 = arith.addf %add3A_556, %get3A_561 : vector<16xf32>
      %swap3A = arith.index_cast %mul3A_406 : i32 to index
      %swap3A_563 = tpu.vector_load %arg8[%swap3A] {strides = array<i32>} : memref<512xf32, #tpu.memory_space<vmem>>, vector<16xf32>,
      %swap3A_564 = vector.shape_cast %swap3A_563 : vector<16xf32> to vector<16xf32>
      %swap3A_565 = vector.shape_cast %add3A_562 : vector<16xf32> to vector<16xf32>
      tpu.vector_store %arg8[%swap3A], %swap3A_565 {strides = array<i32>} : memref<512xf32, #tpu.memory_space<vmem>>, vector<16xf32>,
      %scan3A_566 = arith.constant 0 : i32
      scf.yield %scan3A_566 : i32
    }
    %scan3A_400 = arith.constant 32 : i32
    %mul3A_401 = arith.constant 512 : i32
    %mul3A_402 = arith.muli %add3A, %mul3A_401 : i32
    "tpu.region"() ({
      %run_scoped3A = tpu.sem_alloc : memref<!tpu.dma_semaphore, #tpu.memory_space<semaphore_mem>>
      %dma_start3A_403 = tpu.memref_slice %arg5[%mul3A_402] : memref<16384xf32, #tpu.memory_space<hbm>> -> memref<512xf32, #tpu.memory_space<hbm>>
      %dma_start3A_404 = tpu.memref_slice %arg5[%mul3A_402] : memref<16384xf32, #tpu.memory_space<hbm>> -> memref<512xf32, #tpu.memory_space<hbm>>
      tpu.enqueue_dma source(%arg8 : memref<512xf32, #tpu.memory_space<vmem>>) target(%dma_start3A_404 : memref<512xf32, #tpu.memory_space<hbm>>) target_semaphore(%run_scoped3A : memref<!tpu.dma_semaphore, #tpu.memory_space<semaphore_mem>>)
      %dma_wait3A = tpu.memref_slice %arg5[%mul3A_402] : memref<16384xf32, #tpu.memory_space<hbm>> -> memref<512xf32, #tpu.memory_space<hbm>>
      %dma_wait3A_405 = tpu.memref_slice %arg5[%mul3A_402] : memref<16384xf32, #tpu.memory_space<hbm>> -> memref<512xf32, #tpu.memory_space<hbm>>
      tpu.wait_dma2 semaphore(%run_scoped3A : memref<!tpu.dma_semaphore, #tpu.memory_space<semaphore_mem>>) src(%arg8 : memref<512xf32, #tpu.memory_space<vmem>>) dst(%dma_wait3A_405 : memref<512xf32, #tpu.memory_space<hbm>>)
      tpu.yield
    }) : () -> ()
    return
  }
}

module attributes {stable_mosaic.version = 14 : i64} {
  func.func @_flat_body(%arg0: i32, %arg1: memref<5080x128xf32, #tpu.memory_space<vmem>>, %arg2: memref<1x128xf32, #tpu.memory_space<vmem>>, %arg3: memref<5080x128xf32, #tpu.memory_space<vmem>>) attributes {dimension_semantics = [#tpu.dimension_semantics<arbitrary>], iteration_bounds = array<i64: 4>, scalar_prefetch = 0 : i64, scratch_operands = 0 : i64, tpu.core_type = #tpu.core_type<tc>, window_params = [{transform_indices = @transform_0, window_bounds = array<i64: 5080, 128>}, {pipeline_mode = #tpu.pipeline_mode<synchronous>, transform_indices = @transform_1, window_bounds = array<i64: 1, 128>}, {transform_indices = @transform_2, window_bounds = array<i64: 5080, 128>}]} {
    %iota3A = tpu.iota {dimensions = array<i32: 0>} : vector<5080x128xi32>
    %mul3A = arith.constant 5080 : i32
    %mul3A_0 = arith.muli %arg0, %mul3A : i32
    %add3A = vector.broadcast %mul3A_0 : i32 to vector<5080x128xi32>
    %add3A_1 = arith.addi %iota3A, %add3A : vector<5080x128xi32>
    %get3A = arith.constant 0 : index
    %get3A_2 = arith.constant 0 : index
    %get3A_3 = vector.load %arg1[%get3A, %get3A_2] : memref<5080x128xf32, #tpu.memory_space<vmem>>, vector<5080x128xf32>
    %get3A_4 = arith.constant 0 : index
    %get3A_5 = arith.constant 0 : index
    %get3A_6 = vector.load %arg2[%get3A_4, %get3A_5] : memref<1x128xf32, #tpu.memory_space<vmem>>, vector<1x128xf32>
    %broadcast_in_dim3A = vector.shape_cast %get3A_6 : vector<1x128xf32> to vector<1x128xf32>
    %broadcast_in_dim3A_7 = vector.broadcast %broadcast_in_dim3A : vector<1x128xf32> to vector<5080x128xf32>
    %lt3A = arith.constant 20312 : i32
    %lt3A_8 = vector.broadcast %lt3A : i32 to vector<5080x128xi32>
    %lt3A_9 = arith.cmpi slt, %add3A_1, %lt3A_8 : vector<5080x128xi32>
    %eq3A = arith.constant 20312 : i32
    %eq3A_10 = vector.broadcast %eq3A : i32 to vector<5080x128xi32>
    %eq3A_11 = arith.cmpi eq, %add3A_1, %eq3A_10 : vector<5080x128xi32>
    %jit3A = arith.constant 0.000000e+00 : f32
    %broadcast_in_dim3A_12 = vector.broadcast %jit3A : f32 to vector<5080x128xf32>
    %select_n3A = arith.select %eq3A_11, %broadcast_in_dim3A_7, %broadcast_in_dim3A_12 : vector<5080x128xi1>, vector<5080x128xf32>
    %select_n3A_13 = arith.select %lt3A_9, %get3A_3, %select_n3A : vector<5080x128xi1>, vector<5080x128xf32>
    %swap3A = arith.constant 0 : index
    %swap3A_14 = arith.constant 0 : index
    %swap3A_15 = vector.load %arg3[%swap3A, %swap3A_14] : memref<5080x128xf32, #tpu.memory_space<vmem>>, vector<5080x128xf32>
    tpu.vector_store %arg3[%swap3A, %swap3A_14], %select_n3A_13 {strides = array<i32>} : memref<5080x128xf32, #tpu.memory_space<vmem>>, vector<5080x128xf32>,
    return
  }
  func.func @transform_0(%arg0: i32) -> (i32, i32) {
    %c0_i32 = arith.constant 0 : i32
    %c0_i32_0 = arith.constant 0 : i32
    return %arg0, %c0_i32 : i32, i32
  }
  func.func @transform_1(%arg0: i32) -> (i32, i32) {
    %c0_i32 = arith.constant 0 : i32
    %c0_i32_0 = arith.constant 0 : i32
    %c0_i32_1 = arith.constant 0 : i32
    return %c0_i32, %c0_i32_0 : i32, i32
  }
  func.func @transform_2(%arg0: i32) -> (i32, i32) {
    %c0_i32 = arith.constant 0 : i32
    %c0_i32_0 = arith.constant 0 : i32
    return %arg0, %c0_i32 : i32, i32
  }
}

</mosaic_0001>

<sc_bundles>
// kernel: kernel.4.cloned.1.call-start
scs
__scs_entry_jumppad:
0x0: {  	(pc) =	sbr.rel $0x88, $3  }
0x1: {  	(tag) =	ssettag $0x0;
	lr =	simm.s32 $0x1  }
0x2: {  	[smem:$0x3F9E] =	sst lr;
	_ =	strace $0xD0000000  }
0x3: {  	_ = 	snop  }
0x4: {  	_ = 	snop  }
0x5: {  	_ = 	snop  }
0x6: {  	_ = 	snop  }
0x7: {  	_ = 	snop  }
__scs_overlays_trampoline_lowered:
0x8: {  	[smem:$0x3FAD] =	sst s0  }
0x9: {  	[smem:$0x3FAE] =	sst s1  }
0xa: {  	[smem:$0x3FAF] =	sst s2  }
0xb: {  	[smem:$0x3FB0] =	sst s3  }
0xc: {  	[smem:$0x3FB1] =	sst s4  }
0xd: {  	[smem:$0x3FB2] =	sst s5  }
0xe: {  	[smem:$0x3FB3] =	sst s6  }
0xf: {  	[smem:$0x3FB4] =	sst s7  }
0x10: {  	[smem:$0x3FB5] =	sst s8  }
0x11: {  	[smem:$0x3FB6] =	sst s9;
	s0 =	simm.s32 @!p0 $0x0  }
0x12: {  	s1 =	sld [smem:$0x3F9C];
	s0 =	simm.s32 @p0 $0x1  }
0x13: {  	[smem:$0x3FB7] =	sst s0;
	s0 =	simm.s32 @!p1 $0x0  }
0x14: {  	s2 =	sld [smem:$0x3F9B];
	s0 =	simm.s32 @p1 $0x1  }
0x15: {  	[smem:$0x3FB8] =	sst s0;
	s0 =	simm.s32 @!p2 $0x0  }
0x16: {  	s3 =	sld [smem:$0x3FDB];
	s0 =	simm.s32 @p2 $0x1  }
0x17: {  	s4 =	simm.s32 $0x1BF5;
	[smem:$0x3FBA] =	sst s0  }
0x18: {  	s0 =	sld [smem:$0x3F9D];
	_ =	swait.ge [sflag:s4], $0x0  }
0x19: {  	s7 =	sld [smem:$0x3F9E]  }
0x1a: {  	s8 =	sadd.s32 $0xFFFFE003, lr  }
0x1b: {  	s9 =	sadd.s32 $0xFFFFFEF7, lr;
	s5 =	simm.s32 $0xFFFFFFFF;
	p2 =	slt.u32 s8, $0xFFFFF086  }
0x1c: {  	p1 =	slt.u32 s9, $0xF7A;
	s5 =	simm.s32 @!p2 $0x0  }
0x1d: {  	s5 =	simm.s32 @p1 $0x1;
	p0 =	seq.s32 s7, s2  }
0x1e: {  	s7 =	smul.u32 @!p0 $0xF7A, s2;
	p2 =	seq.s32 @!p0 s5, $0x0  }
0x1f: {  	s9 =	smul.u32 $0xF7A, s1;
	s8 =	simm.s32 @!p0 $0x1BF5;
	p2 =	por !p2, p0  }
0x20: {  	[sflag:s8] =	ssyncset.s32 @!p0 $0xFFFFF086;
	s6 =	sadd.s32 @!p0 s3, s7;
	s7 =	simm.s32 @!p0 $0x108  }
0x21: {  	s3 =	sadd.s32 s3, s9;
	s6 =	sadd.s32 @!p0 $0x88, s6;
	s7 =	simm.s32 @p2 $0x1082  }
0x22: {  	[simem:s7], [sflag:s8] =	dma.local @!p0 [hbm:s6], $0xF7A  }
0x23: {  	s9 =	sor.u32 $0xD0000000, s2;
	s6 =	simm.s32 $0x108;
	_ =	swait.ge @!p0 [sflag:s8], $0x0  }
0x24: {  	s3 =	sadd.s32 $0x88, s3;
	s6 =	simm.s32 @!p1 $0x1082;
	[sflag:s4] =	ssyncset.s32 $0xFFFFF086  }
0x25: {  	[simem:s6], [sflag:s4] =	dma.local [hbm:s3], $0xF7A  }
0x26: {  	[smem:$0x3F9E] =	sst s1;
	(tag) =	ssettag s2;
	_ =	strace s9  }
0x27: {  	s1 =	sld [smem:$0x3FAE]  }
0x28: {  	s2 =	sld [smem:$0x3FAF]  }
0x29: {  	s4 =	sld [smem:$0x3FB1]  }
0x2a: {  	p0 =	seq.s32 s5, $0x0;
	s5 =	sld [smem:$0x3FB2]  }
0x2b: {  	s6 =	sld [smem:$0x3FB3]  }
0x2c: {  	s7 =	sld [smem:$0x3FB4]  }
0x2d: {  	s3 =	simm.s32 $0x108;
	s8 =	sld [smem:$0x3FB5]  }
0x2e: {  	s3 =	simm.s32 @!p0 $0x1082;
	s9 =	sld [smem:$0x3FB6]  }
0x2f: {  	lr =	sadd.s32 s0, s3;
	s0 =	sld [smem:$0x3FAD]  }
0x30: {  	s3 =	sld [smem:$0x3FB0]  }
0x31: {  	[smem:$0x3FB9] =	sst s10  }
0x32: {  	s10 =	sld [smem:$0x3FB7];
	_ =	sdelay $0x3  }
0x33: {  	p0 =	seq.s32 s10, $0x1;
	s10 =	sld [smem:$0x3FB9];
	_ =	sdelay $0x3  }
0x34: {  	[smem:$0x3FB9] =	sst s10  }
0x35: {  	s10 =	sld [smem:$0x3FB8];
	_ =	sdelay $0x3  }
0x36: {  	p1 =	seq.s32 s10, $0x1;
	s10 =	sld [smem:$0x3FB9];
	_ =	sdelay $0x3  }
0x37: {  	[smem:$0x3FB9] =	sst s10  }
0x38: {  	s10 =	sld [smem:$0x3FBA]  }
0x39: {  	_ = 	snop;
	(pc) =	sbr.ind lr, $3  }
0x3a: {  	_ = 	snop  }
0x3b: {  	_ = 	snop  }
0x3c: {  	p2 =	seq.s32 s10, $0x1;
	s10 =	sld [smem:$0x3FB9]  }
0x3d: {  	_ =	shalt  }
0x3e: {  	_ =	shalt  }
0x3f: {  	_ =	shalt  }
0x40: {  	_ =	shalt  }
0x41: {  	_ =	shalt  }
0x42: {  	_ =	shalt  }
0x43: {  	_ =	shalt  }
0x44: {  	_ =	shalt  }
0x45: {  	_ =	shalt  }
0x46: {  	_ =	shalt  }
0x47: {  	_ =	shalt  }
0x48: {  	_ =	shalt  }
0x49: {  	_ =	shalt  }
0x4a: {  	_ =	shalt  }
0x4b: {  	_ =	shalt  }
0x4c: {  	_ =	shalt  }
0x4d: {  	_ =	shalt  }
0x4e: {  	_ =	shalt  }
0x4f: {  	_ =	shalt  }
0x50: {  	_ =	shalt  }
0x51: {  	_ =	shalt  }
0x52: {  	_ =	shalt  }
0x53: {  	_ =	shalt  }
0x54: {  	_ =	shalt  }
0x55: {  	_ =	shalt  }
0x56: {  	_ =	shalt  }
0x57: {  	_ =	shalt  }
0x58: {  	_ =	shalt  }
0x59: {  	_ =	shalt  }
0x5a: {  	_ =	shalt  }
0x5b: {  	_ =	shalt  }
0x5c: {  	_ =	shalt  }
0x5d: {  	_ =	shalt  }
0x5e: {  	_ =	shalt  }
0x5f: {  	_ =	shalt  }
0x60: {  	_ =	shalt  }
0x61: {  	_ =	shalt  }
0x62: {  	_ =	shalt  }
0x63: {  	_ =	shalt  }
0x64: {  	_ =	shalt  }
0x65: {  	_ =	shalt  }
0x66: {  	_ =	shalt  }
0x67: {  	_ =	shalt  }
0x68: {  	_ =	shalt  }
0x69: {  	_ =	shalt  }
0x6a: {  	_ =	shalt  }
0x6b: {  	_ =	shalt  }
0x6c: {  	_ =	shalt  }
0x6d: {  	_ =	shalt  }
0x6e: {  	_ =	shalt  }
0x6f: {  	_ =	shalt  }
0x70: {  	_ =	shalt  }
0x71: {  	_ =	shalt  }
0x72: {  	_ =	shalt  }
0x73: {  	_ =	shalt  }
0x74: {  	_ =	shalt  }
0x75: {  	_ =	shalt  }
0x76: {  	_ =	shalt  }
0x77: {  	_ =	shalt  }
0x78: {  	_ =	shalt  }
0x79: {  	_ =	shalt  }
0x7a: {  	_ =	shalt  }
0x7b: {  	_ =	shalt  }
0x7c: {  	_ =	shalt  }
0x7d: {  	_ =	shalt  }
0x7e: {  	_ =	shalt  }
0x7f: {  	_ =	shalt  }
0x80: {  	_ =	shalt  }
0x81: {  	_ =	shalt  }
0x82: {  	_ =	shalt  }
0x83: {  	_ =	shalt  }
0x84: {  	_ =	shalt  }
0x85: {  	_ =	shalt  }
0x86: {  	_ =	shalt  }
0x87: {  	_ =	shalt  }
.Lfunc_end0:
.L_simem_size_0:
called_computation_lowered:
.L_overlay_start_0:
0x88: {  	s2 =	sld [smem:$0x3FD9]  }
0x89: {  	s3 =	sld [smem:$0x3FFE];
	_ =	sdelay $0x1  }
0x8a: {  	s1 =	srdreg.scid  }
0x8b: {  	s0 =	sand.u32 $0x1, s1  }
0x8c: {  	s17 =	sshll.u32 s0, $0xA;
	s2 =	sadd.s32 s3, s2  }
0x8d: {  	s2 =	sadd.s32 s2, s17  }
0x8e: {  	[smem:$0x3FC5] =	sst s2  }
0x8f: {  	_ = 	snop  }
0x90: {  	s2 =	sld [smem:$0x3FD0];
	(tm) =	ssettm $0x1  }
0x91: {  	s18 =	sld [smem:$0x3FFB];
	_ =	sdelay $0x3  }
0x92: {  	_ =	strace s18  }
0x93: {  	s3 =	sld [smem:$0x3FFC];
	_ =	sdelay $0x3  }
0x94: {  	_ =	strace s3  }
0x95: {  	s3 =	sld [smem:$0x3FFD];
	_ =	sdelay $0x3  }
0x96: {  	_ =	strace s3  }
0x97: {  	_ =	strace $0x8FFFFFFF  }
0x98: {  	s19 =	sld [smem:$0x3FDB];
	_ =	sdelay $0x1  }
0x99: {  	s4 =	simm.s32 $_scs_section_size  }
0x9a: {  	s5 =	simm.s32 $_size__tile_overlayer_lowered;
	s6 =	simm.s32 $_tile_overlayer_lowered  }
0x9b: {  	s22 =	simm.s32 $0x1BFF;
	s21 =	sshll.u32 s6, $0x1;
	s3 =	sadd.s32 s4, s19  }
0x9c: {  	s7 =	simm.s32 $0x0;
	s20 =	sshll.u32 s5, $0x1;
	s5 =	sadd.s32 s21, s3  }
0x9d: {  	[timem:s7], [sflag:s22] =	dma.local [hbm:s5], s20  }
0x9e: {  	_ =	swait.ge [sflag:s22], s20  }
0x9f: {  	s4 =	ssub.s32 $0x0, s20;
	[sflag:s22] =	ssyncset.done $0x0  }
0xa0: {  	[sflag:s22] =	ssyncadd.s32 s4;
	_ =	sdelay $0x1  }
0xa1: {  	s23 =	simm.s32 $0x1B8B  }
0xa2: {  	_ =	swait.ge [sflag:s23], $0x1  }
0xa3: {  	[sflag:s23] =	ssyncset.done $0x0  }
0xa4: {  	s25 =	simm.s32 $0x1B8E;
	s24 =	sld [smem:$0x3FFE];
	[sflag:s23] =	ssyncadd.s32 $0xFFFFFFFF  }
0xa5: {  	s26 =	simm.s32 $execute0_lowered;
	[smem:$0x3FD2] =	sst s25  }
0xa6: {  	s5 =	sshll.u32 s26, $0x1;
	_ =	strace $0x80000046;
	[dreg:$0x1] =	wrdreg $0xFFFFFFFF  }
0xa7: {  	s28 =	simm.s32 $_size_execute0_lowered;
	s3 =	sadd.s32 s3, s5;
	[dreg:$0x0] =	wrdreg $0x0  }
0xa8: {  	s5 =	sshll.u32 s28, $0x1;
	[dreg:$0x2] =	wrdreg s3  }
0xa9: {  	[dreg:$0x3] =	wrdreg s5  }
0xaa: {  	[dreg:$0x4] =	wrdreg $0xC0  }
0xab: {  	_ =	task [dreg:s7], $0x5FFFF  }
0xac: {  	[dreg:$0x1] =	wrdreg $0xFFFFFFFF  }
0xad: {  	[dreg:$0x0] =	wrdreg $0x60  }
0xae: {  	[dreg:$0x2] =	wrdreg s24  }
0xaf: {  	[dreg:$0x3] =	wrdreg s2  }
0xb0: {  	[dreg:$0x4] =	wrdreg $0x9  }
0xb1: {  	_ =	task.clear_ibuf [dreg:s7], $0x5FFFF;
	_ =	strace $0x90000046  }
0xb2: {  	s29 =	simm.s32 $0x9;
	_ =	strace $0x80000048  }
0xb3: {  	_ =	swait.ge [sflag:s29], $0x1  }
0xb4: {  	[sflag:s29] =	ssyncadd.s32 $0xFFFFFFFF  }
0xb5: {  	_ =	strace $0x90000048  }
0xb6: {  	_ =	sfence  }
0xb7: {  	s30 =	sld [smem:$0x0];
	_ =	sdelay $0x2  }
0xb8: {  	s31 =	sshll.u32 s1, $0xD;
	s1 =	sshrl.u32 s1, $0x2  }
0xb9: {  	s3 =	sand.u32 $0x4000, s31;
	s1 =	sadd.s32 s1, s30  }
0xba: {  	s0 =	sor.u32 s3, s0;
	s1 =	sshll.u32 s1, $0x11  }
0xbb: {  	s0 =	sor.u32 s1, s0  }
0xbc: {  	s0 =	sadd.s32 $0x8F2B, s0  }
0xbd: {  	[sflag:s0] =	ssyncadd.remote.s32 $0x1  }
0xbe: {  	_ =	sfence.sel $0xFFFF  }
0xbf: {  	[dreg:$0x0] =	wrdreg $0xFFFFFFFF;
	(pc) =	sbr.abs _section_cstart, $3  }
0xc0: {  	[dreg:$0x1] =	wrdreg $0xFFFFFFFF  }
0xc1: {  	_ =	task.clear_ibuf [dreg:s7], $0x2FFFF;
	_ =	strace $0x9FFFFFFF  }
0xc2: {  	(tm) =	ssettm $0x7FFFFFFF  }
0xc3: {  	_ =	shalt  }
tec
execute0_lowered:
.L_overlay_start_1:
0x0: {  	(tag) =	ssettag $0x1  }
0x1: {  	s0 =	srdreg.scid  }
0x2: {  	s2 =	stileid.u32;
	s1 =	rddreg [dreg:$0x0]  }
0x3: {  	s6 =	rddreg [dreg:$0x1];
	s8 =	simm.s32 $0x2;
	s10 =	simm.s32 $0x80  }
0x4: {  	s20 =	simm.s32 $0x1400;
	s21 =	simm.s32 $0x4800;
	s22 =	simm.s32 $0x1480  }
0x5: {  	s23 =	simm.s32 $0x4880;
	s24 =	simm.s32 $0x1500;
	s28 =	simm.s32 $0x4980  }
0x6: {  	s29 =	simm.s32 $0x1600;
	s30 =	simm.s32 $0x4A00;
	s31 =	simm.s32 $0x1680  }
0x7: {  	s9 =	simm.s32 $0x4B00;
	s11 =	simm.s32 $0x1780;
	s12 =	simm.s32 $0x4B80  }
0x8: {  	s13 =	simm.s32 $0x1;
	s14 =	simm.s32 $0x6800;
	s15 =	simm.s32 $0x0  }
0x9: {  	s0 =	sand.u32 $0x1, s0;
	s2 =	sshll.u32 s2, $0x1;
	s4 =	sadd.s32 $0x5D200, s1  }
0xa: {  	s7 =	sor.u32 s0, s2;
	s2 =	simm.s32 $0x0;
	s0 =	ssub.s32 $0x2, s0  }
0xb: {  	s3 =	smul.u32 $0x680, s7;
	[smem:$0x7FF] =	sst s2;
	s25 =	sshrl.u32 s0, $0x1  }
0xc: {  	s26 =	sshll.u32 s7, $0x6;
	_ =	strace $0x80000047;
	s0 =	ssub.s32 s0, s25  }
0xd: {  	s6 =	sadd.s32 s6, s26;
	s25 =	simm.s32 $0x4900;
	s26 =	simm.s32 $0x1580  }
0xe: {  	s5 =	sadd.s32 s3, s1;
	s3 =	sadd.s32 $0xDC00, s1;
	s7 =	smax.u32 s0, $0x1  }
0xf: {  	s1 =	simm.s32 $0x4A80;
	s0 =	simm.s32 $0x1700;
	s5 =	sadd.s32 $0xC00, s5  }
.LBB2_1:
0x10: {  	[tilespmem:s2], [sflag:$0x2] =	stream.linear.gather [hbm4b:s5+s2], $0x3400, $0x38;
	[tilespmem:$0x6A10] =	vst v63  }
0x11: {  	_ =	swait.ge [sflag:s8], $0x3400  }
0x12: {  	[sflag:s8] =	ssyncset.done $0x0  }
0x13: {  	s16 =	simm.s32 $0x6A00;
	[sflag:s8] =	ssyncadd.s32 $0xFFFFCC00  }
0x14: {  	[tilespmem:s16], [sflag:$0x2] =	stream.linear.gather [hbm4b:s4+s2], $0x10, $0x38;
	[tilespmem:$0x6A10] =	vst v63  }
0x15: {  	_ =	swait.ge [sflag:s8], $0x10  }
0x16: {  	[sflag:s8] =	ssyncset.done $0x0  }
0x17: {  	s17 =	simm.s32 $0x3400;
	[sflag:s8] =	ssyncadd.s32 $0xFFFFFFF0  }
0x18: {  	[tilespmem:s17], [sflag:$0x1] =	stream.indirect.gather [hbm4b:s3+s10], $0x1, s2, s10, $0xb8;
	[tilespmem:$0x6A10] =	vst v63  }
0x19: {  	s18 =	simm.s32 $0x3480  }
0x1a: {  	[tilespmem:s18], [sflag:$0x1] =	stream.indirect.gather [hbm4b:s3+s10], $0x1, s10, s10, $0xb8;
	[tilespmem:$0x6A10] =	vst v63  }
0x1b: {  	s19 =	simm.s32 $0x100;
	s17 =	simm.s32 $0x3500  }
0x1c: {  	[tilespmem:s17], [sflag:$0x1] =	stream.indirect.gather [hbm4b:s3+s10], $0x1, s19, s10, $0xb8;
	[tilespmem:$0x6A10] =	vst v63  }
0x1d: {  	s18 =	simm.s32 $0x180;
	s19 =	simm.s32 $0x3580  }
0x1e: {  	[tilespmem:s19], [sflag:$0x1] =	stream.indirect.gather [hbm4b:s3+s10], $0x1, s18, s10, $0xb8;
	[tilespmem:$0x6A10] =	vst v63  }
0x1f: {  	s18 =	simm.s32 $0x200;
	s19 =	simm.s32 $0x3600  }
0x20: {  	[tilespmem:s19], [sflag:$0x1] =	stream.indirect.gather [hbm4b:s3+s10], $0x1, s18, s10, $0xb8;
	[tilespmem:$0x6A10] =	vst v63  }
0x21: {  	s18 =	simm.s32 $0x280;
	s19 =	simm.s32 $0x3680  }
0x22: {  	[tilespmem:s19], [sflag:$0x1] =	stream.indirect.gather [hbm4b:s3+s10], $0x1, s18, s10, $0xb8;
	[tilespmem:$0x6A10] =	vst v63  }
0x23: {  	s18 =	simm.s32 $0x300;
	s19 =	simm.s32 $0x3700  }
0x24: {  	[tilespmem:s19], [sflag:$0x1] =	stream.indirect.gather [hbm4b:s3+s10], $0x1, s18, s10, $0xb8;
	[tilespmem:$0x6A10] =	vst v63  }
0x25: {  	s18 =	simm.s32 $0x380;
	s19 =	simm.s32 $0x3780  }
0x26: {  	[tilespmem:s19], [sflag:$0x1] =	stream.indirect.gather [hbm4b:s3+s10], $0x1, s18, s10, $0xb8;
	[tilespmem:$0x6A10] =	vst v63  }
0x27: {  	s18 =	simm.s32 $0x400;
	s19 =	simm.s32 $0x3800  }
0x28: {  	[tilespmem:s19], [sflag:$0x1] =	stream.indirect.gather [hbm4b:s3+s10], $0x1, s18, s10, $0xb8;
	[tilespmem:$0x6A10] =	vst v63  }
0x29: {  	s18 =	simm.s32 $0x480;
	s19 =	simm.s32 $0x3880  }
0x2a: {  	[tilespmem:s19], [sflag:$0x1] =	stream.indirect.gather [hbm4b:s3+s10], $0x1, s18, s10, $0xb8;
	[tilespmem:$0x6A10] =	vst v63  }
0x2b: {  	s18 =	simm.s32 $0x500;
	s19 =	simm.s32 $0x3900  }
0x2c: {  	[tilespmem:s19], [sflag:$0x1] =	stream.indirect.gather [hbm4b:s3+s10], $0x1, s18, s10, $0xb8;
	[tilespmem:$0x6A10] =	vst v63  }
0x2d: {  	s18 =	simm.s32 $0x580;
	s19 =	simm.s32 $0x3980  }
0x2e: {  	[tilespmem:s19], [sflag:$0x1] =	stream.indirect.gather [hbm4b:s3+s10], $0x1, s18, s10, $0xb8;
	[tilespmem:$0x6A10] =	vst v63  }
0x2f: {  	s18 =	simm.s32 $0x600;
	s19 =	simm.s32 $0x3A00  }
0x30: {  	[tilespmem:s19], [sflag:$0x1] =	stream.indirect.gather [hbm4b:s3+s10], $0x1, s18, s10, $0xb8;
	[tilespmem:$0x6A10] =	vst v63  }
0x31: {  	s18 =	simm.s32 $0x680;
	s19 =	simm.s32 $0x3A80  }
0x32: {  	[tilespmem:s19], [sflag:$0x1] =	stream.indirect.gather [hbm4b:s3+s10], $0x1, s18, s10, $0xb8;
	[tilespmem:$0x6A10] =	vst v63  }
0x33: {  	s18 =	simm.s32 $0x700;
	s19 =	simm.s32 $0x3B00  }
0x34: {  	[tilespmem:s19], [sflag:$0x1] =	stream.indirect.gather [hbm4b:s3+s10], $0x1, s18, s10, $0xb8;
	[tilespmem:$0x6A10] =	vst v63  }
0x35: {  	s18 =	simm.s32 $0x780;
	s19 =	simm.s32 $0x3B80  }
0x36: {  	[tilespmem:s19], [sflag:$0x1] =	stream.indirect.gather [hbm4b:s3+s10], $0x1, s18, s10, $0xb8;
	[tilespmem:$0x6A10] =	vst v63  }
0x37: {  	s18 =	simm.s32 $0x800;
	s19 =	simm.s32 $0x3C00  }
0x38: {  	[tilespmem:s19], [sflag:$0x1] =	stream.indirect.gather [hbm4b:s3+s10], $0x1, s18, s10, $0xb8;
	[tilespmem:$0x6A10] =	vst v63  }
0x39: {  	s18 =	simm.s32 $0x880;
	s19 =	simm.s32 $0x3C80  }
0x3a: {  	[tilespmem:s19], [sflag:$0x1] =	stream.indirect.gather [hbm4b:s3+s10], $0x1, s18, s10, $0xb8;
	[tilespmem:$0x6A10] =	vst v63  }
0x3b: {  	s18 =	simm.s32 $0x900;
	s19 =	simm.s32 $0x3D00  }
0x3c: {  	[tilespmem:s19], [sflag:$0x1] =	stream.indirect.gather [hbm4b:s3+s10], $0x1, s18, s10, $0xb8;
	[tilespmem:$0x6A10] =	vst v63  }
0x3d: {  	s18 =	simm.s32 $0x980;
	s19 =	simm.s32 $0x3D80  }
0x3e: {  	[tilespmem:s19], [sflag:$0x1] =	stream.indirect.gather [hbm4b:s3+s10], $0x1, s18, s10, $0xb8;
	[tilespmem:$0x6A10] =	vst v63  }
0x3f: {  	s18 =	simm.s32 $0xA00;
	s19 =	simm.s32 $0x3E00  }
0x40: {  	[tilespmem:s19], [sflag:$0x1] =	stream.indirect.gather [hbm4b:s3+s10], $0x1, s18, s10, $0xb8;
	[tilespmem:$0x6A10] =	vst v63  }
0x41: {  	s18 =	simm.s32 $0xA80;
	s19 =	simm.s32 $0x3E80  }
0x42: {  	[tilespmem:s19], [sflag:$0x1] =	stream.indirect.gather [hbm4b:s3+s10], $0x1, s18, s10, $0xb8;
	[tilespmem:$0x6A10] =	vst v63  }
0x43: {  	s18 =	simm.s32 $0xB00;
	s19 =	simm.s32 $0x3F00  }
0x44: {  	[tilespmem:s19], [sflag:$0x1] =	stream.indirect.gather [hbm4b:s3+s10], $0x1, s18, s10, $0xb8;
	[tilespmem:$0x6A10] =	vst v63  }
0x45: {  	s18 =	simm.s32 $0xB80;
	s19 =	simm.s32 $0x3F80  }
0x46: {  	[tilespmem:s19], [sflag:$0x1] =	stream.indirect.gather [hbm4b:s3+s10], $0x1, s18, s10, $0xb8;
	[tilespmem:$0x6A10] =	vst v63  }
0x47: {  	s18 =	simm.s32 $0xC00;
	s19 =	simm.s32 $0x4000  }
0x48: {  	[tilespmem:s19], [sflag:$0x1] =	stream.indirect.gather [hbm4b:s3+s10], $0x1, s18, s10, $0xb8;
	[tilespmem:$0x6A10] =	vst v63  }
0x49: {  	s18 =	simm.s32 $0xC80;
	s19 =	simm.s32 $0x4080  }
0x4a: {  	[tilespmem:s19], [sflag:$0x1] =	stream.indirect.gather [hbm4b:s3+s10], $0x1, s18, s10, $0xb8;
	[tilespmem:$0x6A10] =	vst v63  }
0x4b: {  	s18 =	simm.s32 $0xD00;
	s19 =	simm.s32 $0x4100  }
0x4c: {  	[tilespmem:s19], [sflag:$0x1] =	stream.indirect.gather [hbm4b:s3+s10], $0x1, s18, s10, $0xb8;
	[tilespmem:$0x6A10] =	vst v63  }
0x4d: {  	s18 =	simm.s32 $0xD80;
	s19 =	simm.s32 $0x4180  }
0x4e: {  	[tilespmem:s19], [sflag:$0x1] =	stream.indirect.gather [hbm4b:s3+s10], $0x1, s18, s10, $0xb8;
	[tilespmem:$0x6A10] =	vst v63  }
0x4f: {  	s18 =	simm.s32 $0xE00;
	s19 =	simm.s32 $0x4200  }
0x50: {  	[tilespmem:s19], [sflag:$0x1] =	stream.indirect.gather [hbm4b:s3+s10], $0x1, s18, s10, $0xb8;
	[tilespmem:$0x6A10] =	vst v63  }
0x51: {  	s18 =	simm.s32 $0xE80;
	s19 =	simm.s32 $0x4280  }
0x52: {  	[tilespmem:s19], [sflag:$0x1] =	stream.indirect.gather [hbm4b:s3+s10], $0x1, s18, s10, $0xb8;
	[tilespmem:$0x6A10] =	vst v63  }
0x53: {  	s18 =	simm.s32 $0xF00;
	s19 =	simm.s32 $0x4300  }
0x54: {  	[tilespmem:s19], [sflag:$0x1] =	stream.indirect.gather [hbm4b:s3+s10], $0x1, s18, s10, $0xb8;
	[tilespmem:$0x6A10] =	vst v63  }
0x55: {  	s18 =	simm.s32 $0xF80;
	s19 =	simm.s32 $0x4380  }
0x56: {  	[tilespmem:s19], [sflag:$0x1] =	stream.indirect.gather [hbm4b:s3+s10], $0x1, s18, s10, $0xb8;
	[tilespmem:$0x6A10] =	vst v63  }
0x57: {  	s18 =	simm.s32 $0x1000;
	s19 =	simm.s32 $0x4400  }
0x58: {  	[tilespmem:s19], [sflag:$0x1] =	stream.indirect.gather [hbm4b:s3+s10], $0x1, s18, s10, $0xb8;
	[tilespmem:$0x6A10] =	vst v63  }
0x59: {  	s18 =	simm.s32 $0x1080;
	s19 =	simm.s32 $0x4480  }
0x5a: {  	[tilespmem:s19], [sflag:$0x1] =	stream.indirect.gather [hbm4b:s3+s10], $0x1, s18, s10, $0xb8;
	[tilespmem:$0x6A10] =	vst v63  }
0x5b: {  	s18 =	simm.s32 $0x1100;
	s19 =	simm.s32 $0x4500  }
0x5c: {  	[tilespmem:s19], [sflag:$0x1] =	stream.indirect.gather [hbm4b:s3+s10], $0x1, s18, s10, $0xb8;
	[tilespmem:$0x6A10] =	vst v63  }
0x5d: {  	s18 =	simm.s32 $0x1180;
	s19 =	simm.s32 $0x4580  }
0x5e: {  	[tilespmem:s19], [sflag:$0x1] =	stream.indirect.gather [hbm4b:s3+s10], $0x1, s18, s10, $0xb8;
	[tilespmem:$0x6A10] =	vst v63  }
0x5f: {  	s18 =	simm.s32 $0x1200;
	s19 =	simm.s32 $0x4600  }
0x60: {  	[tilespmem:s19], [sflag:$0x1] =	stream.indirect.gather [hbm4b:s3+s10], $0x1, s18, s10, $0xb8;
	[tilespmem:$0x6A10] =	vst v63  }
0x61: {  	s18 =	simm.s32 $0x1280;
	s19 =	simm.s32 $0x4680  }
0x62: {  	[tilespmem:s19], [sflag:$0x1] =	stream.indirect.gather [hbm4b:s3+s10], $0x1, s18, s10, $0xb8;
	[tilespmem:$0x6A10] =	vst v63  }
0x63: {  	s18 =	simm.s32 $0x1300;
	s19 =	simm.s32 $0x4700  }
0x64: {  	[tilespmem:s19], [sflag:$0x1] =	stream.indirect.gather [hbm4b:s3+s10], $0x1, s18, s10, $0xb8;
	[tilespmem:$0x6A10] =	vst v63  }
0x65: {  	s18 =	simm.s32 $0x1380;
	s19 =	simm.s32 $0x4780  }
0x66: {  	[tilespmem:s19], [sflag:$0x1] =	stream.indirect.gather [hbm4b:s3+s10], $0x1, s18, s10, $0xb8;
	[tilespmem:$0x6A10] =	vst v63  }
0x67: {  	_ = 	snop  }
0x68: {  	[tilespmem:s21], [sflag:$0x1] =	stream.indirect.gather [hbm4b:s3+s10], $0x1, s20, s10, $0xb8;
	[tilespmem:$0x6A10] =	vst v63  }
0x69: {  	_ = 	snop  }
0x6a: {  	[tilespmem:s23], [sflag:$0x1] =	stream.indirect.gather [hbm4b:s3+s10], $0x1, s22, s10, $0xb8;
	[tilespmem:$0x6A10] =	vst v63  }
0x6b: {  	_ = 	snop  }
0x6c: {  	[tilespmem:s25], [sflag:$0x1] =	stream.indirect.gather [hbm4b:s3+s10], $0x1, s24, s10, $0xb8;
	[tilespmem:$0x6A10] =	vst v63  }
0x6d: {  	_ = 	snop  }
0x6e: {  	[tilespmem:s28], [sflag:$0x1] =	stream.indirect.gather [hbm4b:s3+s10], $0x1, s26, s10, $0xb8;
	[tilespmem:$0x6A10] =	vst v63  }
0x6f: {  	_ = 	snop  }
0x70: {  	[tilespmem:s30], [sflag:$0x1] =	stream.indirect.gather [hbm4b:s3+s10], $0x1, s29, s10, $0xb8;
	[tilespmem:$0x6A10] =	vst v63  }
0x71: {  	_ = 	snop  }
0x72: {  	[tilespmem:s1], [sflag:$0x1] =	stream.indirect.gather [hbm4b:s3+s10], $0x1, s31, s10, $0xb8;
	[tilespmem:$0x6A10] =	vst v63  }
0x73: {  	_ = 	snop  }
0x74: {  	[tilespmem:s9], [sflag:$0x1] =	stream.indirect.gather [hbm4b:s3+s10], $0x1, s0, s10, $0xb8;
	[tilespmem:$0x6A10] =	vst v63  }
0x75: {  	p0 =	por $0x0, $0x0  }
0x76: {  	[tilespmem:s12], [sflag:$0x1] =	stream.indirect.gather [hbm4b:s3+s10], $0x1, s11, s10, $0xb8;
	[tilespmem:$0x6A10] =	vst v63  }
0x77: {  	s16 =	simm.s32 $0x1800;
	s17 =	simm.s32 $0x4C00;
	s18 =	simm.s32 @!p0 $0x80  }
0x78: {  	[tilespmem:s17], [sflag:$0x1] =	stream.indirect.gather @!p0 [hbm4b:s3+s18], $0x1, s16, s18, $0xb8;
	[tilespmem:$0x6A10] =	vst v63  }
0x79: {  	_ =	swait.ge [sflag:s13], $0x80  }
0x7a: {  	s17 =	simm.s32 $0x1;
	s18 =	simm.s32 $0x4C80;
	[sflag:s13] =	ssyncset.done $0x0  }
.LBB2_2:
0x7b: {  	s19 =	smov.u32 s17;
	s17 =	sadd.s32 $0x1, s17  }
0x7c: {  	[sflag:s13] =	ssyncadd.s32 $0xFFFFFF80;
	s16 =	sadd.s32 $0x80, s16;
	p1 =	sne.s32 s17, $0x68  }
.Ltmp0:
0x7d: {  	p0 =	sgt.u32 s19, $0x37;
	(pc) =	sbr.rel @p1 .LBB2_2-.Ltmp0, $4  }
0x7e: {  	s19 =	simm.s32 @!p0 $0x80  }
0x7f: {  	[tilespmem:s18], [sflag:$0x1] =	stream.indirect.gather @!p0 [hbm4b:s3+s19], $0x1, s16, s19, $0xb8;
	[tilespmem:$0x6A10] =	vst v63  }
0x80: {  	_ =	swait.ge [sflag:s13], $0x80  }
0x81: {  	s18 =	sadd.s32 $0x80, s18;
	[sflag:s13] =	ssyncset.done $0x0  }
0x82: {  	[sflag:s13] =	ssyncadd.s32 $0xFFFFFF80  }
0x83: {  	s17 =	simm.s32 $0x0;
	v0 =	vld [tilespmem:$0x6A00]  }
0x84: {  	v1 =	vld [tilespmem:s17+$0x3400];
	_ =	sdelay $0x1  }
0x85: {  	v2 =	vld [tilespmem:s17+$0x3600];
	_ =	sdelay $0x1  }
0x86: {  	v3 =	vld [tilespmem:s17+$0x3800]  }
0x87: {  	v1 =	vadd.f32 v1, v0  }
0x88: {  	v4 =	vld [tilespmem:s17+$0x3A00]  }
0x89: {  	v1 =	vadd.f32 v2, v1  }
0x8a: {  	v2 =	vld [tilespmem:s17+$0x3C00]  }
0x8b: {  	v1 =	vadd.f32 v3, v1  }
0x8c: {  	v3 =	vld [tilespmem:s17+$0x3E00]  }
0x8d: {  	v1 =	vadd.f32 v4, v1  }
0x8e: {  	v4 =	vld [tilespmem:s17+$0x4000]  }
0x8f: {  	v1 =	vadd.f32 v2, v1  }
0x90: {  	v2 =	vld [tilespmem:s17+$0x4200]  }
0x91: {  	v1 =	vadd.f32 v3, v1  }
0x92: {  	v3 =	vld [tilespmem:s17+$0x4400]  }
0x93: {  	v1 =	vadd.f32 v4, v1  }
0x94: {  	v4 =	vld [tilespmem:s17+$0x4600]  }
0x95: {  	v1 =	vadd.f32 v2, v1  }
0x96: {  	v2 =	vld [tilespmem:s17+$0x4800]  }
0x97: {  	v1 =	vadd.f32 v3, v1  }
0x98: {  	v3 =	vld [tilespmem:s17+$0x4A00]  }
0x99: {  	v1 =	vadd.f32 v4, v1  }
0x9a: {  	s16 =	simm.s32 $0x10;
	v4 =	vld [tilespmem:s17+$0x4C00]  }
0x9b: {  	v5 =	vld [tilespmem:s16+$0x3400];
	v1 =	vadd.f32 v2, v1  }
0x9c: {  	v2 =	vld [tilespmem:s17+$0x4E00]  }
0x9d: {  	v6 =	vld [tilespmem:s16+$0x3600];
	v1 =	vadd.f32 v3, v1  }
0x9e: {  	v3 =	vld [tilespmem:s17+$0x5000]  }
0x9f: {  	v7 =	vld [tilespmem:s16+$0x3800];
	v1 =	vadd.f32 v4, v1  }
0xa0: {  	v4 =	vld [tilespmem:s17+$0x5200]  }
0xa1: {  	v8 =	vld [tilespmem:s16+$0x3A00];
	v5 =	vadd.f32 v5, v0;
	v1 =	vadd.f32 v2, v1  }
0xa2: {  	v2 =	vld [tilespmem:s17+$0x5400]  }
0xa3: {  	v5 =	vadd.f32 v6, v5;
	v6 =	vld [tilespmem:s16+$0x3C00];
	v1 =	vadd.f32 v3, v1  }
0xa4: {  	v3 =	vld [tilespmem:s17+$0x5600]  }
0xa5: {  	v5 =	vadd.f32 v7, v5;
	v7 =	vld [tilespmem:s16+$0x3E00];
	v1 =	vadd.f32 v4, v1  }
0xa6: {  	v4 =	vld [tilespmem:s17+$0x5800]  }
0xa7: {  	v5 =	vadd.f32 v8, v5;
	v8 =	vld [tilespmem:s16+$0x4000];
	v1 =	vadd.f32 v2, v1  }
0xa8: {  	v2 =	vld [tilespmem:s17+$0x5A00]  }
0xa9: {  	v5 =	vadd.f32 v6, v5;
	v6 =	vld [tilespmem:s16+$0x4200];
	v1 =	vadd.f32 v3, v1  }
0xaa: {  	v3 =	vld [tilespmem:s17+$0x5C00]  }
0xab: {  	v5 =	vadd.f32 v7, v5;
	v7 =	vld [tilespmem:s16+$0x4400];
	v1 =	vadd.f32 v4, v1  }
0xac: {  	v4 =	vld [tilespmem:s17+$0x5E00]  }
0xad: {  	v5 =	vadd.f32 v8, v5;
	v8 =	vld [tilespmem:s16+$0x4600];
	v1 =	vadd.f32 v2, v1  }
0xae: {  	v2 =	vld [tilespmem:s17+$0x6000]  }
0xaf: {  	v9 =	vld [tilespmem:s17+$0x6200];
	v5 =	vadd.f32 v6, v5;
	v1 =	vadd.f32 v3, v1  }
0xb0: {  	v3 =	vld [tilespmem:s16+$0x4800]  }
0xb1: {  	v5 =	vadd.f32 v7, v5;
	v6 =	vadd.f32 v4, v1;
	v1 =	vld [tilespmem:s17+$0x6400]  }
0xb2: {  	v4 =	vld [tilespmem:s16+$0x4A00]  }
0xb3: {  	v7 =	vadd.f32 v8, v5;
	v5 =	vld [tilespmem:s16+$0x4C00];
	v8 =	vadd.f32 v2, v6  }
0xb4: {  	v2 =	vld [tilespmem:s17+$0x6600]  }
0xb5: {  	s18 =	simm.s32 $0x20;
	s19 =	simm.s32 $0xC0;
	v6 =	vadd.f32 v3, v7;
	v3 =	vld [tilespmem:s16+$0x4E00];
	v7 =	vadd.f32 v9, v8  }
.LBB2_4:
0xb6: {  	p0 =	sne.s32 s19, $0x7C0;
	v8 =	vld [tilespmem:s18+$0x3400]  }
0xb7: {  	v4 =	vadd.f32 v4, v6;
	v6 =	vld [tilespmem:s16+$0x5000];
	v1 =	vadd.f32 v1, v7  }
0xb8: {  	v7 =	vld [tilespmem:s18+$0x3600]  }
0xb9: {  	v4 =	vadd.f32 v5, v4;
	v5 =	vld [tilespmem:s16+$0x5200];
	v1 =	vadd.f32 v2, v1  }
0xba: {  	v2 =	vld [tilespmem:s18+$0x3800]  }
0xbb: {  	v8 =	vadd.f32 v8, v0;
	v3 =	vadd.f32 v3, v4;
	v4 =	vld [tilespmem:s16+$0x5400];
	[tilespmem:s17+$0x6800] =	vst v1;
	s17 =	smov.u32 s16;
	s16 =	smov.u32 s18  }
0xbc: {  	v1 =	vld [tilespmem:s16+$0x3A00]  }
0xbd: {  	v7 =	vadd.f32 v7, v8;
	v3 =	vadd.f32 v6, v3;
	v6 =	vld [tilespmem:s17+$0x5600]  }
0xbe: {  	v8 =	vld [tilespmem:s16+$0x3C00]  }
0xbf: {  	v2 =	vadd.f32 v2, v7;
	v3 =	vadd.f32 v5, v3;
	v5 =	vld [tilespmem:s17+$0x5800]  }
0xc0: {  	v7 =	vld [tilespmem:s16+$0x3E00]  }
0xc1: {  	v1 =	vadd.f32 v1, v2;
	v2 =	vadd.f32 v4, v3;
	v3 =	vld [tilespmem:s17+$0x5A00]  }
0xc2: {  	v4 =	vld [tilespmem:s16+$0x4000]  }
0xc3: {  	v1 =	vadd.f32 v8, v1;
	v2 =	vadd.f32 v6, v2;
	v6 =	vld [tilespmem:s17+$0x5C00]  }
0xc4: {  	v8 =	vld [tilespmem:s16+$0x4200]  }
0xc5: {  	v1 =	vadd.f32 v7, v1;
	v2 =	vadd.f32 v5, v2;
	v5 =	vld [tilespmem:s17+$0x5E00]  }
0xc6: {  	v7 =	vld [tilespmem:s16+$0x4400]  }
0xc7: {  	v1 =	vadd.f32 v4, v1;
	v2 =	vadd.f32 v3, v2;
	v3 =	vld [tilespmem:s17+$0x6000]  }
0xc8: {  	v9 =	vld [tilespmem:s16+$0x4600]  }
0xc9: {  	v1 =	vadd.f32 v8, v1;
	v2 =	vadd.f32 v6, v2;
	v8 =	vld [tilespmem:s17+$0x6200]  }
0xca: {  	v6 =	vld [tilespmem:s16+$0x4800]  }
.Ltmp1:
0xcb: {  	v7 =	vadd.f32 v7, v1;
	v2 =	vadd.f32 v5, v2;
	v1 =	vld [tilespmem:s17+$0x6400];
	(pc) =	sbr.rel @p0 .LBB2_4-.Ltmp1, $4  }
0xcc: {  	v4 =	vld [tilespmem:s16+$0x4A00]  }
0xcd: {  	v7 =	vadd.f32 v9, v7;
	v9 =	vadd.f32 v3, v2;
	v2 =	vld [tilespmem:s17+$0x6600]  }
0xce: {  	v5 =	vld [tilespmem:s16+$0x4C00]  }
0xcf: {  	s18 =	sshra.s32 s19, $0x2;
	s19 =	sadd.s32 $0x40, s19;
	v6 =	vadd.f32 v6, v7;
	v3 =	vld [tilespmem:s16+$0x4E00];
	v7 =	vadd.f32 v8, v9  }
0xd0: {  	v8 =	vld [tilespmem:s18+$0x3400]  }
0xd1: {  	v9 =	vld [tilespmem:s16+$0x5000];
	v1 =	vadd.f32 v1, v7  }
0xd2: {  	v31 =	vld [tilespmem:s18+$0x3600]  }
0xd3: {  	v10 =	vld [tilespmem:s16+$0x5200];
	v4 =	vadd.f32 v4, v6;
	v1 =	vadd.f32 v2, v1  }
0xd4: {  	v32 =	vld [tilespmem:s18+$0x3800]  }
0xd5: {  	v33 =	vld [tilespmem:s16+$0x5400];
	v4 =	vadd.f32 v5, v4;
	v0 =	vadd.f32 v8, v0;
	[tilespmem:s17+$0x6800] =	vst v1  }
0xd6: {  	v1 =	vld [tilespmem:s18+$0x3A00]  }
0xd7: {  	v3 =	vadd.f32 v3, v4;
	v0 =	vadd.f32 v31, v0  }
0xd8: {  	v34 =	vld [tilespmem:s18+$0x3C00]  }
0xd9: {  	v35 =	vld [tilespmem:s16+$0x5600];
	v3 =	vadd.f32 v9, v3;
	v0 =	vadd.f32 v32, v0  }
0xda: {  	v36 =	vld [tilespmem:s18+$0x3E00]  }
0xdb: {  	v37 =	vld [tilespmem:s16+$0x5800];
	v3 =	vadd.f32 v10, v3;
	v0 =	vadd.f32 v1, v0  }
0xdc: {  	v38 =	vld [tilespmem:s18+$0x4000]  }
0xdd: {  	v39 =	vld [tilespmem:s16+$0x5A00];
	v3 =	vadd.f32 v33, v3;
	v0 =	vadd.f32 v34, v0  }
0xde: {  	v40 =	vld [tilespmem:s18+$0x4200]  }
0xdf: {  	v41 =	vld [tilespmem:s16+$0x5C00];
	v3 =	vadd.f32 v35, v3;
	v0 =	vadd.f32 v36, v0  }
0xe0: {  	v42 =	vld [tilespmem:s18+$0x4400]  }
0xe1: {  	v43 =	vld [tilespmem:s16+$0x5E00];
	v3 =	vadd.f32 v37, v3;
	v0 =	vadd.f32 v38, v0  }
0xe2: {  	v44 =	vld [tilespmem:s18+$0x4600]  }
0xe3: {  	v45 =	vld [tilespmem:s16+$0x6000];
	v3 =	vadd.f32 v39, v3;
	v0 =	vadd.f32 v40, v0  }
0xe4: {  	v46 =	vld [tilespmem:s18+$0x4800]  }
0xe5: {  	v47 =	vld [tilespmem:s16+$0x6200];
	v3 =	vadd.f32 v41, v3;
	v0 =	vadd.f32 v42, v0  }
0xe6: {  	v48 =	vld [tilespmem:s18+$0x4A00]  }
0xe7: {  	v49 =	vld [tilespmem:s16+$0x6400];
	v3 =	vadd.f32 v43, v3;
	v0 =	vadd.f32 v44, v0  }
0xe8: {  	v50 =	vld [tilespmem:s18+$0x4C00]  }
0xe9: {  	v51 =	vld [tilespmem:s16+$0x6600];
	v3 =	vadd.f32 v45, v3;
	v0 =	vadd.f32 v46, v0  }
0xea: {  	v52 =	vld [tilespmem:s18+$0x4E00]  }
0xeb: {  	v3 =	vadd.f32 v47, v3;
	v0 =	vadd.f32 v48, v0  }
0xec: {  	v53 =	vld [tilespmem:s18+$0x5000]  }
0xed: {  	v3 =	vadd.f32 v49, v3;
	v0 =	vadd.f32 v50, v0  }
0xee: {  	v54 =	vld [tilespmem:s18+$0x5200]  }
0xef: {  	v3 =	vadd.f32 v51, v3;
	v0 =	vadd.f32 v52, v0  }
0xf0: {  	v55 =	vld [tilespmem:s18+$0x5400]  }
0xf1: {  	[tilespmem:s16+$0x6800] =	vst v3;
	v0 =	vadd.f32 v53, v0  }
0xf2: {  	v56 =	vld [tilespmem:s18+$0x5600]  }
0xf3: {  	v0 =	vadd.f32 v54, v0  }
0xf4: {  	v57 =	vld [tilespmem:s18+$0x5800]  }
0xf5: {  	v0 =	vadd.f32 v55, v0  }
0xf6: {  	v3 =	vld [tilespmem:s18+$0x5A00]  }
0xf7: {  	v0 =	vadd.f32 v56, v0  }
0xf8: {  	v58 =	vld [tilespmem:s18+$0x5C00]  }
0xf9: {  	v0 =	vadd.f32 v57, v0  }
0xfa: {  	v59 =	vld [tilespmem:s18+$0x5E00]  }
0xfb: {  	v0 =	vadd.f32 v3, v0  }
0xfc: {  	v60 =	vld [tilespmem:s18+$0x6000]  }
0xfd: {  	v0 =	vadd.f32 v58, v0  }
0xfe: {  	v61 =	vld [tilespmem:s18+$0x6200]  }
0xff: {  	v0 =	vadd.f32 v59, v0  }
0x100: {  	v62 =	vld [tilespmem:s18+$0x6400]  }
0x101: {  	v0 =	vadd.f32 v60, v0  }
0x102: {  	v63 =	vld [tilespmem:s18+$0x6600]  }
0x103: {  	v0 =	vadd.f32 v61, v0;
	_ =	sdelay $0x1  }
0x104: {  	v0 =	vadd.f32 v62, v0;
	_ =	sdelay $0x1  }
0x105: {  	s15 =	sadd.s32 $0x1, s15;
	v0 =	vadd.f32 v63, v0  }
0x106: {  	p0 =	sne.s32 s15, s7  }
.Ltmp2:
0x107: {  	[tilespmem:s18+$0x6800] =	vst v0;
	(pc) =	sbr.rel @p0 .LBB2_1-.Ltmp2, $4  }
0x108: {  	[hbm4b:s6+s2] =	stream.linear.scatter [tilespmem:s14], [sflag:$0x2], $0x200, $0x38;
	[tilespmem:$0x6A10] =	vst v63  }
0x109: {  	_ =	swait.ge [sflag:s8], $0x200  }
0x10a: {  	[sflag:s8] =	ssyncset.done $0x0  }
0x10b: {  	[sflag:s8] =	ssyncadd.s32 $0xFFFFFE00  }
0x10c: {  	_ =	sfence.sel $0x180000  }
0x10d: {  	[bflag:$0x0] =	sbarrier.arrive $0xFFFF  }
0x10e: {  	_ =	strace $0x90000047  }
0x10f: {  	s0 =	stileid.u32;
	[bflag:$0x2] =	sbarrier.arrive $0xFFFF  }
0x110: {  	p0 =	sne.s32 s0, $0x0;
	s0 =	rddreg [dreg:$0x2]  }
0x111: {  	s0 =	sadd.s32 @!p0 $0x100000, s0  }
0x112: {  	[sflag:s0] =	ssyncadd.tile.s32 @!p0 $0x1;
	_ =	shalt  }
.Lfunc_end2:
_tile_overlayer_lowered:
.L_overlay_start_2:
0x113: {  	(tag) =	ssettag $0x2  }
0x114: {  	s0 =	rddreg [dreg:$0x0];
	s2 =	stileid.u32  }
0x115: {  	s1 =	rddreg [dreg:$0x1];
	p0 =	sne.s32 s2, $0x0  }
0x116: {  	s3 =	rddreg [dreg:$0x2];
	[bflag:$0x3] =	sbarrier.arrive $0xFFFF;
	s2 =	simm.s32 @!p0 $0x1C02  }
0x117: {  	[timem:s3], [sflag:s2] =	dma.local @!p0 [hbm:s0], s1  }
0x118: {  	s0 =	simm.s32 @!p0 $0x2  }
0x119: {  	_ =	swait.ge @!p0 [sflag:s0], s1  }
0x11a: {  	s1 =	ssub.s32 @!p0 $0x0, s1;
	[sflag:s0] =	ssyncset.done @!p0 $0x0  }
0x11b: {  	[sflag:s0] =	ssyncadd.s32 @!p0 s1  }
0x11c: {  	[bflag:$0x3] =	sbarrier.arrive $0xFFFF  }
0x11d: {  	_ =	shalt  }

</sc_bundles>
